<compile_context>
chip_gen: v7x
topology: tpu7x:2x2x1
jax: 0.10.2.dev20260603
libtpu: 0.0.44.dev20260713+nightly
codegen_flags: <defaults>
</compile_context>

<pallas_src>
import functools
import math

import jax
import jax.numpy as jnp
import numpy as np
from jax import lax
from jax.experimental import pallas as pl
from jax.experimental.pallas import tpu as pltpu
from jax.experimental.pallas import tpu_sc as plsc

N = 10000
K = 16
IFZ = 128
AHZ = 12
AFZ = 16
QPZ = 4
VPZ = 8
DT = 832
DTU = 816

WL = math.sqrt(1.0 / 3.0)
WC = math.sqrt(2.0 / (9.0 * QPZ))

B1 = 400
B3 = 80



def _perm_rope():
    p = []
    for a in range(AHZ):
        p += [a * AFZ + i for i in range(0, AFZ, 2)]
    for a in range(AHZ):
        p += [a * AFZ + i for i in range(1, AFZ, 2)]
    return np.array(p)


def _perm_cmajor(npts):
    p = np.empty(3 * AHZ * npts, dtype=np.int64)
    for c in range(3):
        for a in range(AHZ):
            for q in range(npts):
                p[c * AHZ * npts + a * npts + q] = (a * npts + q) * 3 + c
    return p


def _perm_backw_cols():
    cols = np.arange(AHZ * AFZ + AHZ * (IFZ // 2) + AHZ * VPZ * 4)
    base = AHZ * AFZ + AHZ * (IFZ // 2)
    ipa = np.empty(3 * AHZ * VPZ, dtype=np.int64)
    for c in range(3):
        for av in range(AHZ * VPZ):
            ipa[c * AHZ * VPZ + av] = base + av * 3 + c
    cols[base:base + 3 * AHZ * VPZ] = ipa
    return cols




def _s1_body(x1_ref, x2f_ref, pe_ref, aff_ref, w_ref, biaw2_ref,
             table_ref, q1r_ref, tq_ref, bias_ref):
    x1 = x1_ref[:]
    proj = lax.dot_general(x1, w_ref[:], (((1,), (1,)), ((), ())),
                           preferred_element_type=jnp.float32)
    pe = pe_ref[:]
    cos = jnp.cos(pe)
    sin = jnp.sin(pe)
    b = x1.shape[0]

    def rope(q):
        v1 = q[:, 0:96]
        v2 = q[:, 96:192]
        return jnp.concatenate([v1 * cos - v2 * sin, v1 * sin + v2 * cos],
                               axis=-1)

    aff = aff_ref[:]

    def affmul(v, s):
        outs = []
        for i in range(3):
            acc = aff[:, 4 * i + 3:4 * i + 4]
            for j in range(3):
                acc = acc + aff[:, 4 * i + j:4 * i + j + 1] * v[:, j * s:(j + 1) * s]
            outs.append(acc)
        return jnp.concatenate(outs, axis=-1)

    q1r_ref[:] = rope(proj[:, 0:192])
    k1r = rope(proj[:, 192:384])
    v1 = proj[:, 384:576]
    tq_ref[:] = affmul(proj[:, 576:720], 48)
    k2 = proj[:, 720:864]
    tv = affmul(proj[:, 864:1152], 96)
    pad = jnp.zeros((b, DT - DTU), jnp.float32)
    table_ref[:] = jnp.concatenate([k1r, v1, k2, tv, pad],
                                   axis=-1).astype(jnp.bfloat16)
    bias_ref[:] = lax.dot_general(x2f_ref[:], biaw2_ref[:],
                                  (((1,), (0,)), ((), ())),
                                  preferred_element_type=jnp.float32)


def _stage1(x1, x2f, pos_emb, affq, wcat, biaw2, *, interpret=False):
    grid = (N // B1,)
    return pl.pallas_call(
        _s1_body,
        grid=grid,
        in_specs=[
            pl.BlockSpec((B1, IFZ), lambda i: (i, 0)),
            pl.BlockSpec((B1, K * (IFZ // 2)), lambda i: (i, 0)),
            pl.BlockSpec((B1, 96), lambda i: (i, 0)),
            pl.BlockSpec((B1, 16), lambda i: (i, 0)),
            pl.BlockSpec((1152, IFZ), lambda i: (0, 0)),
            pl.BlockSpec((K * (IFZ // 2), K * AHZ), lambda i: (0, 0)),
        ],
        out_specs=[
            pl.BlockSpec((B1, DT), lambda i: (i, 0)),
            pl.BlockSpec((B1, AHZ * AFZ), lambda i: (i, 0)),
            pl.BlockSpec((B1, 144), lambda i: (i, 0)),
            pl.BlockSpec((B1, K * AHZ), lambda i: (i, 0)),
        ],
        out_shape=[
            jax.ShapeDtypeStruct((N, DT), jnp.bfloat16),
            jax.ShapeDtypeStruct((N, AHZ * AFZ), jnp.float32),
            jax.ShapeDtypeStruct((N, 144), jnp.float32),
            jax.ShapeDtypeStruct((N, K * AHZ), jnp.float32),
        ],
        interpret=interpret,
    )(x1, x2f, pos_emb, affq, wcat, biaw2)



NW = 32
EPW = N * K // NW
CHUNK = 40
STEPS = EPW // CHUNK


NBUF = 5


def _gather_body(table_hbm, idx_hbm, out_hbm, idx_v, *bufs):
    rows = bufs[0:NBUF]
    gs = bufs[NBUF:2 * NBUF]
    os_ = bufs[2 * NBUF:3 * NBUF]
    wid = lax.axis_index("s") * 2 + lax.axis_index("c")
    base = wid * EPW
    pltpu.sync_copy(idx_hbm.at[pl.ds(base, EPW)], idx_v)
    for s in range(NBUF - 1):
        pltpu.async_copy(table_hbm.at[idx_v.at[pl.ds(s * CHUNK, CHUNK)]],
                         rows[s], gs[s])

    def outer(t, carry):
        for b in range(NBUF):
            s = NBUF * t + b
            nxt = s + NBUF - 1
            nb = (b + NBUF - 1) % NBUF

            @pl.when(jnp.logical_and(nxt < STEPS, s >= 1))
            def _():
                pltpu.make_async_copy(
                    rows[nb], out_hbm.at[pl.ds(base, CHUNK)], os_[nb]).wait()

            @pl.when(nxt < STEPS)
            def _():
                pltpu.async_copy(
                    table_hbm.at[idx_v.at[pl.ds(nxt * CHUNK, CHUNK)]],
                    rows[nb], gs[nb])

            pltpu.make_async_copy(
                table_hbm.at[pl.ds(0, CHUNK)], rows[b], gs[b]).wait()
            pltpu.async_copy(rows[b],
                             out_hbm.at[pl.ds(base + s * CHUNK, CHUNK)],
                             os_[b])
        return carry

    lax.fori_loop(0, STEPS // NBUF, outer, 0)
    for b in range(NBUF):
        pltpu.make_async_copy(rows[b], out_hbm.at[pl.ds(base, CHUNK)],
                              os_[b]).wait()


def _stage2(table, edge_flat):
    mesh = plsc.VectorSubcoreMesh(core_axis_name="c", subcore_axis_name="s")
    scratch = ([pltpu.VMEM((EPW,), jnp.int32)]
               + [pltpu.VMEM((CHUNK, DT), jnp.bfloat16) for _ in range(NBUF)]
               + [pltpu.SemaphoreType.DMA for _ in range(2 * NBUF)])
    k = functools.partial(
        pl.kernel,
        out_type=jax.ShapeDtypeStruct((N * K, DT), jnp.bfloat16),
        mesh=mesh,
        scratch_types=scratch,
        compiler_params=pltpu.CompilerParams(use_tc_tiling_on_sc=False),
    )(_gather_body)
    return k(table, edge_flat)




def _s3_body(g_ref, q1r_ref, tq_ref, bias_ref, x2f_ref, aff_ref, x1_ref,
             gamma_ref, backw_ref, backb_ref, lng_ref, lnb_ref, out_ref):
    b = B3
    g = g_ref[:].reshape(b, K, DT)
    aff = aff_ref[:]

    def seg(npts):
        r = lax.broadcasted_iota(jnp.int32, (AHZ * npts, AHZ), 0) // npts
        c = lax.broadcasted_iota(jnp.int32, (AHZ * npts, AHZ), 1)
        return (r == c).astype(jnp.float32)

    s16 = seg(AFZ)
    s4 = seg(QPZ)
    s8 = seg(VPZ)

    rr = lax.broadcasted_iota(jnp.int32, (192, AHZ), 0)
    cc = lax.broadcasted_iota(jnp.int32, (192, AHZ), 1)
    srope = ((rr % 96) // 8 == cc).astype(jnp.float32)
    k1r = g[:, :, 0:192].astype(jnp.float32)
    q1r = q1r_ref[:].reshape(b, 1, 192)
    p1 = k1r * q1r
    s1 = lax.dot_general(p1, srope, (((2,), (0,)), ((), ())),
                         preferred_element_type=jnp.float32)

    k2 = g[:, :, 384:528].astype(jnp.float32)
    tks = []
    for i in range(3):
        acc = aff[:, 4 * i + 3].reshape(b, 1, 1)
        for j in range(3):
            acc = acc + aff[:, 4 * i + j].reshape(b, 1, 1) * k2[:, :, 48 * j:48 * (j + 1)]
        tks.append(acc)
    tq = tq_ref[:].reshape(b, 1, 144)
    d0 = tq[:, :, 0:48] - tks[0]
    d1 = tq[:, :, 48:96] - tks[1]
    d2 = tq[:, :, 96:144] - tks[2]
    dsq = d0 * d0 + d1 * d1 + d2 * d2
    s2 = -lax.dot_general(dsq, s4, (((2,), (0,)), ((), ())),
                          preferred_element_type=jnp.float32)

    gam = gamma_ref[:].reshape(1, 1, AHZ)
    scores = WL * (s1 * (1.0 / math.sqrt(AFZ)) + bias_ref[:].reshape(b, K, AHZ)
                   + (0.1 * WC) * gam * s2)
    m = scores.max(axis=1, keepdims=True)
    e = jnp.exp(scores - m)
    w = e / e.sum(axis=1, keepdims=True)

    v1 = g[:, :, 192:384].astype(jnp.float32)
    w16 = lax.dot_general(w, s16, (((2,), (1,)), ((), ())),
                          preferred_element_type=jnp.float32)
    out1 = (w16 * v1).sum(axis=1)

    x2r = x2f_ref[:].reshape(b, K, IFZ // 2)
    out2 = lax.dot_general(w, x2r, (((1,), (1,)), ((0,), (0,))),
                           preferred_element_type=jnp.float32)
    out2f = out2.reshape(b, AHZ * (IFZ // 2))

    tv = g[:, :, 528:816].astype(jnp.float32)
    w8 = lax.dot_general(w, s8, (((2,), (1,)), ((), ())),
                         preferred_element_type=jnp.float32)
    o = [(w8 * tv[:, :, 96 * c:96 * (c + 1)]).sum(axis=1) for c in range(3)]
    oc = [o[c] - aff[:, 4 * c + 3].reshape(b, 1) for c in range(3)]
    ipa = [oc[0] * aff[:, 0 + i].reshape(b, 1)
           + oc[1] * aff[:, 4 + i].reshape(b, 1)
           + oc[2] * aff[:, 8 + i].reshape(b, 1) for i in range(3)]
    norm = jnp.sqrt(ipa[0] * ipa[0] + ipa[1] * ipa[1] + ipa[2] * ipa[2] + 1e-12)

    cat = jnp.concatenate([out1, out2f, ipa[0], ipa[1], ipa[2], norm], axis=1)
    out = lax.dot_general(cat, backw_ref[:], (((1,), (1,)), ((), ())),
                          preferred_element_type=jnp.float32) + backb_ref[:]
    h = math.sqrt(2.0) * x1_ref[:] + out
    mu = jnp.mean(h, axis=-1, keepdims=True)
    var = jnp.mean(jnp.square(h - mu), axis=-1, keepdims=True)
    out_ref[:] = lng_ref[:] * (h - mu) / jnp.sqrt(var + 1e-5) + lnb_ref[:]


def _stage3(g, q1r, tq, bias, x2f, affq, x1, gamma2, backwp, backb2, lng2, lnb2,
            *, interpret=False):
    grid = (N // B3,)
    return pl.pallas_call(
        _s3_body,
        grid=grid,
        in_specs=[
            pl.BlockSpec((B3 * K, DT), lambda i: (i, 0)),
            pl.BlockSpec((B3, AHZ * AFZ), lambda i: (i, 0)),
            pl.BlockSpec((B3, 144), lambda i: (i, 0)),
            pl.BlockSpec((B3, K * AHZ), lambda i: (i, 0)),
            pl.BlockSpec((B3, K * (IFZ // 2)), lambda i: (i, 0)),
            pl.BlockSpec((B3, 16), lambda i: (i, 0)),
            pl.BlockSpec((B3, IFZ), lambda i: (i, 0)),
            pl.BlockSpec((1, AHZ), lambda i: (0, 0)),
            pl.BlockSpec((IFZ, 1344), lambda i: (0, 0)),
            pl.BlockSpec((1, IFZ), lambda i: (0, 0)),
            pl.BlockSpec((1, IFZ), lambda i: (0, 0)),
            pl.BlockSpec((1, IFZ), lambda i: (0, 0)),
        ],
        out_specs=pl.BlockSpec((B3, IFZ), lambda i: (i, 0)),
        out_shape=jax.ShapeDtypeStruct((N, IFZ), jnp.float32),
        interpret=interpret,
    )(g, q1r, tq, bias, x2f, affq, x1, gamma2, backwp, backb2, lng2, lnb2)




def kernel(x1, x2, affines, pos_emb, edge_index, q1_w, k1_w, v1_w, q2_w,
           k2_w, v2_w, bia_w, back_w, back_b, gamma, ln_g, ln_b):
    pr = _perm_rope()
    pq = _perm_cmajor(QPZ)
    pv = _perm_cmajor(VPZ)
    wcat = jnp.concatenate([q1_w[pr], k1_w[pr], v1_w, q2_w[pq], k2_w[pq],
                            v2_w[pv]], axis=0)
    backwp = back_w[:, _perm_backw_cols()]
    affq = affines.reshape(N, 16)
    x2f = x2.reshape(N, K * (IFZ // 2))
    biaw2 = jnp.zeros((K * (IFZ // 2), K * AHZ), jnp.float32)
    kk = np.arange(K)
    biaw2 = biaw2.at[kk[:, None, None] * (IFZ // 2) + np.arange(IFZ // 2)[None, None, :],
                     kk[:, None, None] * AHZ + np.arange(AHZ)[None, :, None]].set(bia_w[None, :, :])

    pe96 = jnp.tile(pos_emb, (1, AHZ))
    table, q1r, tq, bias = _stage1(x1, x2f, pe96, affq, wcat, biaw2)
    g = _stage2(table, edge_index.reshape(-1))
    return _stage3(g, q1r, tq, bias, x2f, affq, x1,
                   gamma.reshape(1, AHZ), backwp,
                   back_b.reshape(1, IFZ), ln_g.reshape(1, IFZ),
                   ln_b.reshape(1, IFZ))

# --- scband reference (transcript-rebuilt; emitter-appended) ---
"""Pipeline reference for scband-invariant-point-attention-32736240730456 (READ-ONLY COPY).

The authoritative reference and input builder live on the scoring server;
editing this copy changes nothing except your own understanding.
"""

import jax, jax.numpy as jnp
import numpy as np
import math

N = 10000
K = 16
IFZ = 128
AHZ = 12
AFZ = 16
QPZ = 4
VPZ = 8


def rope_rotate(v, angles):
    cos = jnp.cos(angles)
    sin = jnp.sin(angles)
    v1 = v[..., 0::2]
    v2 = v[..., 1::2]
    r1 = v1 * cos - v2 * sin
    r2 = v1 * sin + v2 * cos
    out = jnp.stack([r1, r2], axis=-1)
    return out.reshape(out.shape[:-2] + (out.shape[-2] * 2,))


def Rope(q, k, pos_emb, edge_index):
    aq = pos_emb[:, None, :]
    ak = pos_emb[edge_index][:, :, None, :]
    return rope_rotate(q, aq), rope_rotate(k, ak)


def affine_mul_vecs(aff, vecs):
    rot = aff[:, :3, :3]
    trans = aff[:, :3, 3]
    extra = vecs.ndim - 2
    r = rot.reshape((rot.shape[0],) + (1,) * extra + (3, 3))
    t = trans.reshape((trans.shape[0],) + (1,) * extra + (3,))
    return jnp.einsum('...ij,...j->...i', r, vecs) + t


def invert_affine(aff):
    rot = aff[:, :3, :3]
    trans = aff[:, :3, 3]
    rot_t = jnp.swapaxes(rot, -1, -2)
    t_inv = -jnp.einsum('nij,nj->ni', rot_t, trans)
    out = jnp.zeros_like(aff)
    out = out.at[:, :3, :3].set(rot_t)
    out = out.at[:, :3, 3].set(t_inv)
    out = out.at[:, 3, 3].set(1.0)
    return out


def setup_inputs(seed: int = 0) -> dict:
    key = jax.random.key(seed)
    ks = jax.random.split(key, 16)
    s = 0.02
    x1 = jax.random.normal(ks[0], (N, IFZ), dtype=jnp.float32)
    x2 = jax.random.normal(ks[1], (N, K, IFZ // 2), dtype=jnp.float32)
    affines = jax.random.normal(ks[2], (N, 4, 4), dtype=jnp.float32)
    pos_emb = jax.random.normal(ks[3], (N, AFZ // 2), dtype=jnp.float32)
    edge_index = jax.random.randint(ks[4], (N, K), 0, N)
    q1_w = jax.random.normal(ks[5], (AHZ * AFZ, IFZ), dtype=jnp.float32) * s
    k1_w = jax.random.normal(ks[6], (AHZ * AFZ, IFZ), dtype=jnp.float32) * s
    v1_w = jax.random.normal(ks[7], (AHZ * AFZ, IFZ), dtype=jnp.float32) * s
    q2_w = jax.random.normal(ks[8], (AHZ * QPZ * 3, IFZ), dtype=jnp.float32) * s
    k2_w = jax.random.normal(ks[9], (AHZ * QPZ * 3, IFZ), dtype=jnp.float32) * s
    v2_w = jax.random.normal(ks[10], (AHZ * VPZ * 3, IFZ), dtype=jnp.float32) * s
    bia_w = jax.random.normal(ks[11], (AHZ, IFZ // 2), dtype=jnp.float32) * s
    back_in = AHZ * AFZ + AHZ * (IFZ // 2) + AHZ * VPZ * 4
    back_w = jax.random.normal(ks[12], (IFZ, back_in), dtype=jnp.float32) * s
    back_b = jnp.zeros((IFZ,), dtype=jnp.float32)
    gamma = 1.1 * jnp.ones((1, 1, AHZ), dtype=jnp.float32)
    ln_g = jnp.ones((IFZ,), dtype=jnp.float32)
    ln_b = jnp.zeros((IFZ,), dtype=jnp.float32)
    return {'x1': x1, 'x2': x2, 'affines': affines, 'pos_emb': pos_emb,
            'edge_index': edge_index, 'q1_w': q1_w, 'k1_w': k1_w, 'v1_w': v1_w,
            'q2_w': q2_w, 'k2_w': k2_w, 'v2_w': v2_w, 'bia_w': bia_w,
            'back_w': back_w, 'back_b': back_b, 'gamma': gamma,
            'ln_g': ln_g, 'ln_b': ln_b}


def reference(x1, x2, affines, pos_emb, edge_index, q1_w, k1_w, v1_w, q2_w,
              k2_w, v2_w, bia_w, back_w, back_b, gamma, ln_g, ln_b):
    n = x1.shape[0]
    query1 = (x1 @ q1_w.T).reshape(n, AHZ, AFZ)
    key1 = ((x1 @ k1_w.T).reshape(n, AHZ, AFZ))[edge_index]
    query1, key1 = Rope(query1, key1, pos_emb, edge_index)
    value1 = ((x1 @ v1_w.T).reshape(n, AHZ, AFZ))[edge_index]
    query2 = (x1 @ q2_w.T).reshape(n, 1, AHZ, QPZ, 3)
    key2 = ((x1 @ k2_w.T).reshape(n, AHZ, QPZ, 3))[edge_index]
    value2 = (x1 @ v2_w.T).reshape(n, AHZ, VPZ, 3)
    bias = x2 @ bia_w.T
    wc = math.sqrt(2.0 / (9.0 * QPZ))
    wl = math.sqrt(1.0 / 3.0)
    score1 = jnp.einsum('nai,nkai->nka', query1, key1) / math.sqrt(AFZ) + bias
    tq = affine_mul_vecs(affines, query2)
    tk = affine_mul_vecs(affines, key2)
    score2 = -jnp.sum(jnp.square(tq - tk), axis=-1).sum(axis=-1)
    scores = wl * (score1 + 0.1 * wc * gamma * score2)
    w = jax.nn.softmax(scores, axis=1)
    output1 = jnp.einsum('nka,nkai->nai', w, value1)
    output2 = jnp.einsum('nka,nki->nai', w, x2)
    tv = affine_mul_vecs(affines, value2)[edge_index]
    output_ipa = jnp.einsum('nka,nkavd->navd', w, tv)
    output_ipa = affine_mul_vecs(invert_affine(affines), output_ipa)
    ipa_norm = jnp.sqrt(jnp.sum(jnp.square(output_ipa), axis=-1) + 1e-12)
    cat = jnp.concatenate([output1.reshape(n, -1), output2.reshape(n, -1),
                           output_ipa.reshape(n, -1), ipa_norm.reshape(n, -1)],
                          axis=1)
    out = cat @ back_w.T + back_b
    h = math.sqrt(2.0) * x1 + out
    mu = jnp.mean(h, axis=-1, keepdims=True)
    var = jnp.mean(jnp.square(h - mu), axis=-1, keepdims=True)
    return ln_g * (h - mu) / jnp.sqrt(var + 1e-5) + ln_b


if False:  # reference __main__ guard neutralized (emitter)
    inp = setup_inputs()
    y = reference(**inp)
    print(y.shape, y.dtype)

if __name__ == "__main__":
    import jax
    _d = setup_inputs()
    print(jax.jit(kernel)(*tuple(_d.values())))

</pallas_src>

<mosaic_0001>
#map = affine_map<(d0, d1) -> (0, 0)>
#map1 = affine_map<(d0, d1) -> (0)>
module attributes {stable_mosaic.version = 14 : i64} {
  func.func @_gather_body(%arg0: i32, %arg1: i32, %arg2: memref<10000x832xbf16, #tpu.memory_space<hbm>>, %arg3: memref<160000xi32, #tpu.memory_space<hbm>>, %arg4: memref<160000x832xbf16, #tpu.memory_space<hbm>>, %arg5: memref<5000xi32, #tpu.memory_space<vmem>>, %arg6: memref<40x832xbf16, #tpu.memory_space<vmem>>, %arg7: memref<40x832xbf16, #tpu.memory_space<vmem>>, %arg8: memref<40x832xbf16, #tpu.memory_space<vmem>>, %arg9: memref<40x832xbf16, #tpu.memory_space<vmem>>, %arg10: memref<40x832xbf16, #tpu.memory_space<vmem>>, %arg11: memref<!tpu.dma_semaphore, #tpu.memory_space<semaphore_mem>>, %arg12: memref<!tpu.dma_semaphore, #tpu.memory_space<semaphore_mem>>, %arg13: memref<!tpu.dma_semaphore, #tpu.memory_space<semaphore_mem>>, %arg14: memref<!tpu.dma_semaphore, #tpu.memory_space<semaphore_mem>>, %arg15: memref<!tpu.dma_semaphore, #tpu.memory_space<semaphore_mem>>, %arg16: memref<!tpu.dma_semaphore, #tpu.memory_space<semaphore_mem>>, %arg17: memref<!tpu.dma_semaphore, #tpu.memory_space<semaphore_mem>>, %arg18: memref<!tpu.dma_semaphore, #tpu.memory_space<semaphore_mem>>, %arg19: memref<!tpu.dma_semaphore, #tpu.memory_space<semaphore_mem>>, %arg20: memref<!tpu.dma_semaphore, #tpu.memory_space<semaphore_mem>>) attributes {dimension_semantics = [#tpu.dimension_semantics<core_parallel>, #tpu.dimension_semantics<subcore_parallel>], iteration_bounds = array<i64: 2, 16>, scalar_prefetch = 0 : i64, scratch_operands = 16 : i64, tpu.core_type = #tpu.core_type<sc_vector_subcore>, window_params = [{transform_indices = #map}, {transform_indices = #map1}, {transform_indices = #map}]} {
    %mul3A = arith.constant 2 : i32
    %mul3A_0 = arith.muli %arg1, %mul3A : i32
    %add3A = arith.addi %mul3A_0, %arg0 : i32
    %mul3A_1 = arith.constant 5000 : i32
    %mul3A_2 = arith.muli %add3A, %mul3A_1 : i32
    "tpu.region"() ({
      %run_scoped3A = tpu.sem_alloc : memref<!tpu.dma_semaphore, #tpu.memory_space<semaphore_mem>>
      %dma_start3A_46 = tpu.memref_slice %arg3[%mul3A_2] : memref<160000xi32, #tpu.memory_space<hbm>> -> memref<5000xi32, #tpu.memory_space<hbm>>
      %dma_start3A_47 = tpu.memref_slice %arg3[%mul3A_2] : memref<160000xi32, #tpu.memory_space<hbm>> -> memref<5000xi32, #tpu.memory_space<hbm>>
      tpu.enqueue_dma source(%dma_start3A_47 : memref<5000xi32, #tpu.memory_space<hbm>>) target(%arg5 : memref<5000xi32, #tpu.memory_space<vmem>>) target_semaphore(%run_scoped3A : memref<!tpu.dma_semaphore, #tpu.memory_space<semaphore_mem>>)
      %dma_wait3A_48 = tpu.memref_slice %arg3[%mul3A_2] : memref<160000xi32, #tpu.memory_space<hbm>> -> memref<5000xi32, #tpu.memory_space<hbm>>
      %dma_wait3A_49 = tpu.memref_slice %arg3[%mul3A_2] : memref<160000xi32, #tpu.memory_space<hbm>> -> memref<5000xi32, #tpu.memory_space<hbm>>
      tpu.wait_dma2 semaphore(%run_scoped3A : memref<!tpu.dma_semaphore, #tpu.memory_space<semaphore_mem>>) src(%dma_wait3A_49 : memref<5000xi32, #tpu.memory_space<hbm>>) dst(%arg5 : memref<5000xi32, #tpu.memory_space<vmem>>)
      tpu.yield
    }) : () -> ()
    %dma_start3A = arith.constant 0 : i32
    %dma_start3A_3 = tpu.memref_slice %arg5[%dma_start3A] : memref<5000xi32, #tpu.memory_space<vmem>> -> memref<40xi32, #tpu.memory_space<vmem>>
    %dma_start3A_4 = arith.constant 0 : i32
    %dma_start3A_5 = arith.constant 0 : i32
    %dma_start3A_6 = tpu.memref_slice %arg2[%dma_start3A_4, %dma_start3A_5] : memref<10000x832xbf16, #tpu.memory_space<hbm>> -> memref<10000x832xbf16, #tpu.memory_space<hbm>>
    tpu.enqueue_indirect_dma source(%dma_start3A_6 : memref<10000x832xbf16, #tpu.memory_space<hbm>>) target(%arg6 : memref<40x832xbf16, #tpu.memory_space<vmem>>) offsets(%dma_start3A_3 : memref<40xi32, #tpu.memory_space<vmem>>) semaphore(%arg11 : memref<!tpu.dma_semaphore, #tpu.memory_space<semaphore_mem>>)
    %dma_start3A_7 = arith.constant 40 : i32
    %dma_start3A_8 = tpu.memref_slice %arg5[%dma_start3A_7] : memref<5000xi32, #tpu.memory_space<vmem>> -> memref<40xi32, #tpu.memory_space<vmem>>
    %dma_start3A_9 = arith.constant 0 : i32
    %dma_start3A_10 = arith.constant 0 : i32
    %dma_start3A_11 = tpu.memref_slice %arg2[%dma_start3A_9, %dma_start3A_10] : memref<10000x832xbf16, #tpu.memory_space<hbm>> -> memref<10000x832xbf16, #tpu.memory_space<hbm>>
    tpu.enqueue_indirect_dma source(%dma_start3A_11 : memref<10000x832xbf16, #tpu.memory_space<hbm>>) target(%arg7 : memref<40x832xbf16, #tpu.memory_space<vmem>>) offsets(%dma_start3A_8 : memref<40xi32, #tpu.memory_space<vmem>>) semaphore(%arg12 : memref<!tpu.dma_semaphore, #tpu.memory_space<semaphore_mem>>)
    %dma_start3A_12 = arith.constant 80 : i32
    %dma_start3A_13 = tpu.memref_slice %arg5[%dma_start3A_12] : memref<5000xi32, #tpu.memory_space<vmem>> -> memref<40xi32, #tpu.memory_space<vmem>>
    %dma_start3A_14 = arith.constant 0 : i32
    %dma_start3A_15 = arith.constant 0 : i32
    %dma_start3A_16 = tpu.memref_slice %arg2[%dma_start3A_14, %dma_start3A_15] : memref<10000x832xbf16, #tpu.memory_space<hbm>> -> memref<10000x832xbf16, #tpu.memory_space<hbm>>
    tpu.enqueue_indirect_dma source(%dma_start3A_16 : memref<10000x832xbf16, #tpu.memory_space<hbm>>) target(%arg8 : memref<40x832xbf16, #tpu.memory_space<vmem>>) offsets(%dma_start3A_13 : memref<40xi32, #tpu.memory_space<vmem>>) semaphore(%arg13 : memref<!tpu.dma_semaphore, #tpu.memory_space<semaphore_mem>>)
    %dma_start3A_17 = arith.constant 120 : i32
    %dma_start3A_18 = tpu.memref_slice %arg5[%dma_start3A_17] : memref<5000xi32, #tpu.memory_space<vmem>> -> memref<40xi32, #tpu.memory_space<vmem>>
    %dma_start3A_19 = arith.constant 0 : i32
    %dma_start3A_20 = arith.constant 0 : i32
    %dma_start3A_21 = tpu.memref_slice %arg2[%dma_start3A_19, %dma_start3A_20] : memref<10000x832xbf16, #tpu.memory_space<hbm>> -> memref<10000x832xbf16, #tpu.memory_space<hbm>>
    tpu.enqueue_indirect_dma source(%dma_start3A_21 : memref<10000x832xbf16, #tpu.memory_space<hbm>>) target(%arg9 : memref<40x832xbf16, #tpu.memory_space<vmem>>) offsets(%dma_start3A_18 : memref<40xi32, #tpu.memory_space<vmem>>) semaphore(%arg14 : memref<!tpu.dma_semaphore, #tpu.memory_space<semaphore_mem>>)
    %scan3A = arith.constant 0 : i32
    %scan3A_22 = arith.constant 0 : i32
    %scan3A_23 = arith.constant 25 : i32
    %scan3A_24 = arith.addi %scan3A_22, %scan3A_23 : i32
    %scan3A_25 = arith.constant 1 : i32
    scf.for %scan3A_46 = %scan3A_22 to %scan3A_24 step %scan3A_25  : i32 {
      %mul3A_47 = arith.constant 5 : i32
      %mul3A_48 = arith.muli %mul3A_47, %scan3A_46 : i32
      %add3A_49 = arith.constant 0 : i32
      %add3A_50 = arith.addi %mul3A_48, %add3A_49 : i32
      %add3A_51 = arith.constant 5 : i32
      %add3A_52 = arith.addi %add3A_50, %add3A_51 : i32
      %sub3A = arith.constant 1 : i32
      %sub3A_53 = arith.subi %add3A_52, %sub3A : i32
      %lt3A = arith.constant 125 : i32
      %lt3A_54 = arith.cmpi slt, %sub3A_53, %lt3A : i32
      %ge3A = arith.constant 1 : i32
      %ge3A_55 = arith.cmpi sge, %add3A_50, %ge3A : i32
      %and3A = arith.andi %lt3A_54, %ge3A_55 : i1
      %convert_element_type3A = arith.extui %and3A : i1 to i32
      %cond3A = arith.constant 0 : i32
      %cond3A_56 = arith.cmpi ne, %convert_element_type3A, %cond3A : i32
      scf.if %cond3A_56 {
        %dma_wait3A_211 = arith.constant 0 : i32
        %dma_wait3A_212 = tpu.memref_slice %arg4[%mul3A_2, %dma_wait3A_211] : memref<160000x832xbf16, #tpu.memory_space<hbm>> -> memref<40x832xbf16, #tpu.memory_space<hbm>>
        %dma_wait3A_213 = arith.constant 0 : i32
        %dma_wait3A_214 = tpu.memref_slice %arg4[%mul3A_2, %dma_wait3A_213] : memref<160000x832xbf16, #tpu.memory_space<hbm>> -> memref<40x832xbf16, #tpu.memory_space<hbm>>
        tpu.wait_dma2 semaphore(%arg20 : memref<!tpu.dma_semaphore, #tpu.memory_space<semaphore_mem>>) src(%arg10 : memref<40x832xbf16, #tpu.memory_space<vmem>>) dst(%dma_wait3A_214 : memref<40x832xbf16, #tpu.memory_space<hbm>>)
      } else {
      }
      %lt3A_57 = arith.constant 125 : i32
      %lt3A_58 = arith.cmpi slt, %sub3A_53, %lt3A_57 : i32
      %convert_element_type3A_59 = arith.extui %lt3A_58 : i1 to i32
      %cond3A_60 = arith.constant 0 : i32
      %cond3A_61 = arith.cmpi ne, %convert_element_type3A_59, %cond3A_60 : i32
      scf.if %cond3A_61 {
        %mul3A_211 = arith.constant 40 : i32
        %mul3A_212 = arith.muli %sub3A_53, %mul3A_211 : i32
        %dma_start3A_213 = tpu.memref_slice %arg5[%mul3A_212] : memref<5000xi32, #tpu.memory_space<vmem>> -> memref<40xi32, #tpu.memory_space<vmem>>
        %dma_start3A_214 = arith.constant 0 : i32
        %dma_start3A_215 = arith.constant 0 : i32
        %dma_start3A_216 = tpu.memref_slice %arg2[%dma_start3A_214, %dma_start3A_215] : memref<10000x832xbf16, #tpu.memory_space<hbm>> -> memref<10000x832xbf16, #tpu.memory_space<hbm>>
        tpu.enqueue_indirect_dma source(%dma_start3A_216 : memref<10000x832xbf16, #tpu.memory_space<hbm>>) target(%arg10 : memref<40x832xbf16, #tpu.memory_space<vmem>>) offsets(%dma_start3A_213 : memref<40xi32, #tpu.memory_space<vmem>>) semaphore(%arg15 : memref<!tpu.dma_semaphore, #tpu.memory_space<semaphore_mem>>)
      } else {
      }
      %dma_wait3A_62 = arith.constant 0 : i32
      %dma_wait3A_63 = arith.constant 0 : i32
      %dma_wait3A_64 = tpu.memref_slice %arg2[%dma_wait3A_62, %dma_wait3A_63] : memref<10000x832xbf16, #tpu.memory_space<hbm>> -> memref<40x832xbf16, #tpu.memory_space<hbm>>
      %dma_wait3A_65 = arith.constant 0 : i32
      %dma_wait3A_66 = arith.constant 0 : i32
      %dma_wait3A_67 = tpu.memref_slice %arg2[%dma_wait3A_65, %dma_wait3A_66] : memref<10000x832xbf16, #tpu.memory_space<hbm>> -> memref<40x832xbf16, #tpu.memory_space<hbm>>
      tpu.wait_dma2 semaphore(%arg11 : memref<!tpu.dma_semaphore, #tpu.memory_space<semaphore_mem>>) src(%dma_wait3A_67 : memref<40x832xbf16, #tpu.memory_space<hbm>>) dst(%arg6 : memref<40x832xbf16, #tpu.memory_space<vmem>>)
      %mul3A_68 = arith.constant 40 : i32
      %mul3A_69 = arith.muli %add3A_50, %mul3A_68 : i32
      %add3A_70 = arith.addi %mul3A_2, %mul3A_69 : i32
      %dma_start3A_71 = arith.constant 0 : i32
      %dma_start3A_72 = tpu.memref_slice %arg4[%add3A_70, %dma_start3A_71] : memref<160000x832xbf16, #tpu.memory_space<hbm>> -> memref<40x832xbf16, #tpu.memory_space<hbm>>
      %dma_start3A_73 = arith.constant 0 : i32
      %dma_start3A_74 = tpu.memref_slice %arg4[%add3A_70, %dma_start3A_73] : memref<160000x832xbf16, #tpu.memory_space<hbm>> -> memref<40x832xbf16, #tpu.memory_space<hbm>>
      tpu.enqueue_dma source(%arg6 : memref<40x832xbf16, #tpu.memory_space<vmem>>) target(%dma_start3A_74 : memref<40x832xbf16, #tpu.memory_space<hbm>>) target_semaphore(%arg16 : memref<!tpu.dma_semaphore, #tpu.memory_space<semaphore_mem>>)
      %mul3A_75 = arith.constant 5 : i32
      %mul3A_76 = arith.muli %mul3A_75, %scan3A_46 : i32
      %add3A_77 = arith.constant 1 : i32
      %add3A_78 = arith.addi %mul3A_76, %add3A_77 : i32
      %add3A_79 = arith.constant 5 : i32
      %add3A_80 = arith.addi %add3A_78, %add3A_79 : i32
      %sub3A_81 = arith.constant 1 : i32
      %sub3A_82 = arith.subi %add3A_80, %sub3A_81 : i32
      %lt3A_83 = arith.constant 125 : i32
      %lt3A_84 = arith.cmpi slt, %sub3A_82, %lt3A_83 : i32
      %ge3A_85 = arith.constant 1 : i32
      %ge3A_86 = arith.cmpi sge, %add3A_78, %ge3A_85 : i32
      %and3A_87 = arith.andi %lt3A_84, %ge3A_86 : i1
      %convert_element_type3A_88 = arith.extui %and3A_87 : i1 to i32
      %cond3A_89 = arith.constant 0 : i32
      %cond3A_90 = arith.cmpi ne, %convert_element_type3A_88, %cond3A_89 : i32
      scf.if %cond3A_90 {
        %dma_wait3A_211 = arith.constant 0 : i32
        %dma_wait3A_212 = tpu.memref_slice %arg4[%mul3A_2, %dma_wait3A_211] : memref<160000x832xbf16, #tpu.memory_space<hbm>> -> memref<40x832xbf16, #tpu.memory_space<hbm>>
        %dma_wait3A_213 = arith.constant 0 : i32
        %dma_wait3A_214 = tpu.memref_slice %arg4[%mul3A_2, %dma_wait3A_213] : memref<160000x832xbf16, #tpu.memory_space<hbm>> -> memref<40x832xbf16, #tpu.memory_space<hbm>>
        tpu.wait_dma2 semaphore(%arg16 : memref<!tpu.dma_semaphore, #tpu.memory_space<semaphore_mem>>) src(%arg6 : memref<40x832xbf16, #tpu.memory_space<vmem>>) dst(%dma_wait3A_214 : memref<40x832xbf16, #tpu.memory_space<hbm>>)
      } else {
      }
      %lt3A_91 = arith.constant 125 : i32
      %lt3A_92 = arith.cmpi slt, %sub3A_82, %lt3A_91 : i32
      %convert_element_type3A_93 = arith.extui %lt3A_92 : i1 to i32
      %cond3A_94 = arith.constant 0 : i32
      %cond3A_95 = arith.cmpi ne, %convert_element_type3A_93, %cond3A_94 : i32
      scf.if %cond3A_95 {
        %mul3A_211 = arith.constant 40 : i32
        %mul3A_212 = arith.muli %sub3A_82, %mul3A_211 : i32
        %dma_start3A_213 = tpu.memref_slice %arg5[%mul3A_212] : memref<5000xi32, #tpu.memory_space<vmem>> -> memref<40xi32, #tpu.memory_space<vmem>>
        %dma_start3A_214 = arith.constant 0 : i32
        %dma_start3A_215 = arith.constant 0 : i32
        %dma_start3A_216 = tpu.memref_slice %arg2[%dma_start3A_214, %dma_start3A_215] : memref<10000x832xbf16, #tpu.memory_space<hbm>> -> memref<10000x832xbf16, #tpu.memory_space<hbm>>
        tpu.enqueue_indirect_dma source(%dma_start3A_216 : memref<10000x832xbf16, #tpu.memory_space<hbm>>) target(%arg6 : memref<40x832xbf16, #tpu.memory_space<vmem>>) offsets(%dma_start3A_213 : memref<40xi32, #tpu.memory_space<vmem>>) semaphore(%arg11 : memref<!tpu.dma_semaphore, #tpu.memory_space<semaphore_mem>>)
      } else {
      }
      %dma_wait3A_96 = arith.constant 0 : i32
      %dma_wait3A_97 = arith.constant 0 : i32
      %dma_wait3A_98 = tpu.memref_slice %arg2[%dma_wait3A_96, %dma_wait3A_97] : memref<10000x832xbf16, #tpu.memory_space<hbm>> -> memref<40x832xbf16, #tpu.memory_space<hbm>>
      %dma_wait3A_99 = arith.constant 0 : i32
      %dma_wait3A_100 = arith.constant 0 : i32
      %dma_wait3A_101 = tpu.memref_slice %arg2[%dma_wait3A_99, %dma_wait3A_100] : memref<10000x832xbf16, #tpu.memory_space<hbm>> -> memref<40x832xbf16, #tpu.memory_space<hbm>>
      tpu.wait_dma2 semaphore(%arg12 : memref<!tpu.dma_semaphore, #tpu.memory_space<semaphore_mem>>) src(%dma_wait3A_101 : memref<40x832xbf16, #tpu.memory_space<hbm>>) dst(%arg7 : memref<40x832xbf16, #tpu.memory_space<vmem>>)
      %mul3A_102 = arith.constant 40 : i32
      %mul3A_103 = arith.muli %add3A_78, %mul3A_102 : i32
      %add3A_104 = arith.addi %mul3A_2, %mul3A_103 : i32
      %dma_start3A_105 = arith.constant 0 : i32
      %dma_start3A_106 = tpu.memref_slice %arg4[%add3A_104, %dma_start3A_105] : memref<160000x832xbf16, #tpu.memory_space<hbm>> -> memref<40x832xbf16, #tpu.memory_space<hbm>>
      %dma_start3A_107 = arith.constant 0 : i32
      %dma_start3A_108 = tpu.memref_slice %arg4[%add3A_104, %dma_start3A_107] : memref<160000x832xbf16, #tpu.memory_space<hbm>> -> memref<40x832xbf16, #tpu.memory_space<hbm>>
      tpu.enqueue_dma source(%arg7 : memref<40x832xbf16, #tpu.memory_space<vmem>>) target(%dma_start3A_108 : memref<40x832xbf16, #tpu.memory_space<hbm>>) target_semaphore(%arg17 : memref<!tpu.dma_semaphore, #tpu.memory_space<semaphore_mem>>)
      %mul3A_109 = arith.constant 5 : i32
      %mul3A_110 = arith.muli %mul3A_109, %scan3A_46 : i32
      %add3A_111 = arith.constant 2 : i32
      %add3A_112 = arith.addi %mul3A_110, %add3A_111 : i32
      %add3A_113 = arith.constant 5 : i32
      %add3A_114 = arith.addi %add3A_112, %add3A_113 : i32
      %sub3A_115 = arith.constant 1 : i32
      %sub3A_116 = arith.subi %add3A_114, %sub3A_115 : i32
      %lt3A_117 = arith.constant 125 : i32
      %lt3A_118 = arith.cmpi slt, %sub3A_116, %lt3A_117 : i32
      %ge3A_119 = arith.constant 1 : i32
      %ge3A_120 = arith.cmpi sge, %add3A_112, %ge3A_119 : i32
      %and3A_121 = arith.andi %lt3A_118, %ge3A_120 : i1
      %convert_element_type3A_122 = arith.extui %and3A_121 : i1 to i32
      %cond3A_123 = arith.constant 0 : i32
      %cond3A_124 = arith.cmpi ne, %convert_element_type3A_122, %cond3A_123 : i32
      scf.if %cond3A_124 {
        %dma_wait3A_211 = arith.constant 0 : i32
        %dma_wait3A_212 = tpu.memref_slice %arg4[%mul3A_2, %dma_wait3A_211] : memref<160000x832xbf16, #tpu.memory_space<hbm>> -> memref<40x832xbf16, #tpu.memory_space<hbm>>
        %dma_wait3A_213 = arith.constant 0 : i32
        %dma_wait3A_214 = tpu.memref_slice %arg4[%mul3A_2, %dma_wait3A_213] : memref<160000x832xbf16, #tpu.memory_space<hbm>> -> memref<40x832xbf16, #tpu.memory_space<hbm>>
        tpu.wait_dma2 semaphore(%arg17 : memref<!tpu.dma_semaphore, #tpu.memory_space<semaphore_mem>>) src(%arg7 : memref<40x832xbf16, #tpu.memory_space<vmem>>) dst(%dma_wait3A_214 : memref<40x832xbf16, #tpu.memory_space<hbm>>)
      } else {
      }
      %lt3A_125 = arith.constant 125 : i32
      %lt3A_126 = arith.cmpi slt, %sub3A_116, %lt3A_125 : i32
      %convert_element_type3A_127 = arith.extui %lt3A_126 : i1 to i32
      %cond3A_128 = arith.constant 0 : i32
      %cond3A_129 = arith.cmpi ne, %convert_element_type3A_127, %cond3A_128 : i32
      scf.if %cond3A_129 {
        %mul3A_211 = arith.constant 40 : i32
        %mul3A_212 = arith.muli %sub3A_116, %mul3A_211 : i32
        %dma_start3A_213 = tpu.memref_slice %arg5[%mul3A_212] : memref<5000xi32, #tpu.memory_space<vmem>> -> memref<40xi32, #tpu.memory_space<vmem>>
        %dma_start3A_214 = arith.constant 0 : i32
        %dma_start3A_215 = arith.constant 0 : i32
        %dma_start3A_216 = tpu.memref_slice %arg2[%dma_start3A_214, %dma_start3A_215] : memref<10000x832xbf16, #tpu.memory_space<hbm>> -> memref<10000x832xbf16, #tpu.memory_space<hbm>>
        tpu.enqueue_indirect_dma source(%dma_start3A_216 : memref<10000x832xbf16, #tpu.memory_space<hbm>>) target(%arg7 : memref<40x832xbf16, #tpu.memory_space<vmem>>) offsets(%dma_start3A_213 : memref<40xi32, #tpu.memory_space<vmem>>) semaphore(%arg12 : memref<!tpu.dma_semaphore, #tpu.memory_space<semaphore_mem>>)
      } else {
      }
      %dma_wait3A_130 = arith.constant 0 : i32
      %dma_wait3A_131 = arith.constant 0 : i32
      %dma_wait3A_132 = tpu.memref_slice %arg2[%dma_wait3A_130, %dma_wait3A_131] : memref<10000x832xbf16, #tpu.memory_space<hbm>> -> memref<40x832xbf16, #tpu.memory_space<hbm>>
      %dma_wait3A_133 = arith.constant 0 : i32
      %dma_wait3A_134 = arith.constant 0 : i32
      %dma_wait3A_135 = tpu.memref_slice %arg2[%dma_wait3A_133, %dma_wait3A_134] : memref<10000x832xbf16, #tpu.memory_space<hbm>> -> memref<40x832xbf16, #tpu.memory_space<hbm>>
      tpu.wait_dma2 semaphore(%arg13 : memref<!tpu.dma_semaphore, #tpu.memory_space<semaphore_mem>>) src(%dma_wait3A_135 : memref<40x832xbf16, #tpu.memory_space<hbm>>) dst(%arg8 : memref<40x832xbf16, #tpu.memory_space<vmem>>)
      %mul3A_136 = arith.constant 40 : i32
      %mul3A_137 = arith.muli %add3A_112, %mul3A_136 : i32
      %add3A_138 = arith.addi %mul3A_2, %mul3A_137 : i32
      %dma_start3A_139 = arith.constant 0 : i32
      %dma_start3A_140 = tpu.memref_slice %arg4[%add3A_138, %dma_start3A_139] : memref<160000x832xbf16, #tpu.memory_space<hbm>> -> memref<40x832xbf16, #tpu.memory_space<hbm>>
      %dma_start3A_141 = arith.constant 0 : i32
      %dma_start3A_142 = tpu.memref_slice %arg4[%add3A_138, %dma_start3A_141] : memref<160000x832xbf16, #tpu.memory_space<hbm>> -> memref<40x832xbf16, #tpu.memory_space<hbm>>
      tpu.enqueue_dma source(%arg8 : memref<40x832xbf16, #tpu.memory_space<vmem>>) target(%dma_start3A_142 : memref<40x832xbf16, #tpu.memory_space<hbm>>) target_semaphore(%arg18 : memref<!tpu.dma_semaphore, #tpu.memory_space<semaphore_mem>>)
      %mul3A_143 = arith.constant 5 : i32
      %mul3A_144 = arith.muli %mul3A_143, %scan3A_46 : i32
      %add3A_145 = arith.constant 3 : i32
      %add3A_146 = arith.addi %mul3A_144, %add3A_145 : i32
      %add3A_147 = arith.constant 5 : i32
      %add3A_148 = arith.addi %add3A_146, %add3A_147 : i32
      %sub3A_149 = arith.constant 1 : i32
      %sub3A_150 = arith.subi %add3A_148, %sub3A_149 : i32
      %lt3A_151 = arith.constant 125 : i32
      %lt3A_152 = arith.cmpi slt, %sub3A_150, %lt3A_151 : i32
      %ge3A_153 = arith.constant 1 : i32
      %ge3A_154 = arith.cmpi sge, %add3A_146, %ge3A_153 : i32
      %and3A_155 = arith.andi %lt3A_152, %ge3A_154 : i1
      %convert_element_type3A_156 = arith.extui %and3A_155 : i1 to i32
      %cond3A_157 = arith.constant 0 : i32
      %cond3A_158 = arith.cmpi ne, %convert_element_type3A_156, %cond3A_157 : i32
      scf.if %cond3A_158 {
        %dma_wait3A_211 = arith.constant 0 : i32
        %dma_wait3A_212 = tpu.memref_slice %arg4[%mul3A_2, %dma_wait3A_211] : memref<160000x832xbf16, #tpu.memory_space<hbm>> -> memref<40x832xbf16, #tpu.memory_space<hbm>>
        %dma_wait3A_213 = arith.constant 0 : i32
        %dma_wait3A_214 = tpu.memref_slice %arg4[%mul3A_2, %dma_wait3A_213] : memref<160000x832xbf16, #tpu.memory_space<hbm>> -> memref<40x832xbf16, #tpu.memory_space<hbm>>
        tpu.wait_dma2 semaphore(%arg18 : memref<!tpu.dma_semaphore, #tpu.memory_space<semaphore_mem>>) src(%arg8 : memref<40x832xbf16, #tpu.memory_space<vmem>>) dst(%dma_wait3A_214 : memref<40x832xbf16, #tpu.memory_space<hbm>>)
      } else {
      }
      %lt3A_159 = arith.constant 125 : i32
      %lt3A_160 = arith.cmpi slt, %sub3A_150, %lt3A_159 : i32
      %convert_element_type3A_161 = arith.extui %lt3A_160 : i1 to i32
      %cond3A_162 = arith.constant 0 : i32
      %cond3A_163 = arith.cmpi ne, %convert_element_type3A_161, %cond3A_162 : i32
      scf.if %cond3A_163 {
        %mul3A_211 = arith.constant 40 : i32
        %mul3A_212 = arith.muli %sub3A_150, %mul3A_211 : i32
        %dma_start3A_213 = tpu.memref_slice %arg5[%mul3A_212] : memref<5000xi32, #tpu.memory_space<vmem>> -> memref<40xi32, #tpu.memory_space<vmem>>
        %dma_start3A_214 = arith.constant 0 : i32
        %dma_start3A_215 = arith.constant 0 : i32
        %dma_start3A_216 = tpu.memref_slice %arg2[%dma_start3A_214, %dma_start3A_215] : memref<10000x832xbf16, #tpu.memory_space<hbm>> -> memref<10000x832xbf16, #tpu.memory_space<hbm>>
        tpu.enqueue_indirect_dma source(%dma_start3A_216 : memref<10000x832xbf16, #tpu.memory_space<hbm>>) target(%arg8 : memref<40x832xbf16, #tpu.memory_space<vmem>>) offsets(%dma_start3A_213 : memref<40xi32, #tpu.memory_space<vmem>>) semaphore(%arg13 : memref<!tpu.dma_semaphore, #tpu.memory_space<semaphore_mem>>)
      } else {
      }
      %dma_wait3A_164 = arith.constant 0 : i32
      %dma_wait3A_165 = arith.constant 0 : i32
      %dma_wait3A_166 = tpu.memref_slice %arg2[%dma_wait3A_164, %dma_wait3A_165] : memref<10000x832xbf16, #tpu.memory_space<hbm>> -> memref<40x832xbf16, #tpu.memory_space<hbm>>
      %dma_wait3A_167 = arith.constant 0 : i32
      %dma_wait3A_168 = arith.constant 0 : i32
      %dma_wait3A_169 = tpu.memref_slice %arg2[%dma_wait3A_167, %dma_wait3A_168] : memref<10000x832xbf16, #tpu.memory_space<hbm>> -> memref<40x832xbf16, #tpu.memory_space<hbm>>
      tpu.wait_dma2 semaphore(%arg14 : memref<!tpu.dma_semaphore, #tpu.memory_space<semaphore_mem>>) src(%dma_wait3A_169 : memref<40x832xbf16, #tpu.memory_space<hbm>>) dst(%arg9 : memref<40x832xbf16, #tpu.memory_space<vmem>>)
      %mul3A_170 = arith.constant 40 : i32
      %mul3A_171 = arith.muli %add3A_146, %mul3A_170 : i32
      %add3A_172 = arith.addi %mul3A_2, %mul3A_171 : i32
      %dma_start3A_173 = arith.constant 0 : i32
      %dma_start3A_174 = tpu.memref_slice %arg4[%add3A_172, %dma_start3A_173] : memref<160000x832xbf16, #tpu.memory_space<hbm>> -> memref<40x832xbf16, #tpu.memory_space<hbm>>
      %dma_start3A_175 = arith.constant 0 : i32
      %dma_start3A_176 = tpu.memref_slice %arg4[%add3A_172, %dma_start3A_175] : memref<160000x832xbf16, #tpu.memory_space<hbm>> -> memref<40x832xbf16, #tpu.memory_space<hbm>>
      tpu.enqueue_dma source(%arg9 : memref<40x832xbf16, #tpu.memory_space<vmem>>) target(%dma_start3A_176 : memref<40x832xbf16, #tpu.memory_space<hbm>>) target_semaphore(%arg19 : memref<!tpu.dma_semaphore, #tpu.memory_space<semaphore_mem>>)
      %mul3A_177 = arith.constant 5 : i32
      %mul3A_178 = arith.muli %mul3A_177, %scan3A_46 : i32
      %add3A_179 = arith.constant 4 : i32
      %add3A_180 = arith.addi %mul3A_178, %add3A_179 : i32
      %add3A_181 = arith.constant 5 : i32
      %add3A_182 = arith.addi %add3A_180, %add3A_181 : i32
      %sub3A_183 = arith.constant 1 : i32
      %sub3A_184 = arith.subi %add3A_182, %sub3A_183 : i32
      %lt3A_185 = arith.constant 125 : i32
      %lt3A_186 = arith.cmpi slt, %sub3A_184, %lt3A_185 : i32
      %ge3A_187 = arith.constant 1 : i32
      %ge3A_188 = arith.cmpi sge, %add3A_180, %ge3A_187 : i32
      %and3A_189 = arith.andi %lt3A_186, %ge3A_188 : i1
      %convert_element_type3A_190 = arith.extui %and3A_189 : i1 to i32
      %cond3A_191 = arith.constant 0 : i32
      %cond3A_192 = arith.cmpi ne, %convert_element_type3A_190, %cond3A_191 : i32
      scf.if %cond3A_192 {
        %dma_wait3A_211 = arith.constant 0 : i32
        %dma_wait3A_212 = tpu.memref_slice %arg4[%mul3A_2, %dma_wait3A_211] : memref<160000x832xbf16, #tpu.memory_space<hbm>> -> memref<40x832xbf16, #tpu.memory_space<hbm>>
        %dma_wait3A_213 = arith.constant 0 : i32
        %dma_wait3A_214 = tpu.memref_slice %arg4[%mul3A_2, %dma_wait3A_213] : memref<160000x832xbf16, #tpu.memory_space<hbm>> -> memref<40x832xbf16, #tpu.memory_space<hbm>>
        tpu.wait_dma2 semaphore(%arg19 : memref<!tpu.dma_semaphore, #tpu.memory_space<semaphore_mem>>) src(%arg9 : memref<40x832xbf16, #tpu.memory_space<vmem>>) dst(%dma_wait3A_214 : memref<40x832xbf16, #tpu.memory_space<hbm>>)
      } else {
      }
      %lt3A_193 = arith.constant 125 : i32
      %lt3A_194 = arith.cmpi slt, %sub3A_184, %lt3A_193 : i32
      %convert_element_type3A_195 = arith.extui %lt3A_194 : i1 to i32
      %cond3A_196 = arith.constant 0 : i32
      %cond3A_197 = arith.cmpi ne, %convert_element_type3A_195, %cond3A_196 : i32
      scf.if %cond3A_197 {
        %mul3A_211 = arith.constant 40 : i32
        %mul3A_212 = arith.muli %sub3A_184, %mul3A_211 : i32
        %dma_start3A_213 = tpu.memref_slice %arg5[%mul3A_212] : memref<5000xi32, #tpu.memory_space<vmem>> -> memref<40xi32, #tpu.memory_space<vmem>>
        %dma_start3A_214 = arith.constant 0 : i32
        %dma_start3A_215 = arith.constant 0 : i32
        %dma_start3A_216 = tpu.memref_slice %arg2[%dma_start3A_214, %dma_start3A_215] : memref<10000x832xbf16, #tpu.memory_space<hbm>> -> memref<10000x832xbf16, #tpu.memory_space<hbm>>
        tpu.enqueue_indirect_dma source(%dma_start3A_216 : memref<10000x832xbf16, #tpu.memory_space<hbm>>) target(%arg9 : memref<40x832xbf16, #tpu.memory_space<vmem>>) offsets(%dma_start3A_213 : memref<40xi32, #tpu.memory_space<vmem>>) semaphore(%arg14 : memref<!tpu.dma_semaphore, #tpu.memory_space<semaphore_mem>>)
      } else {
      }
      %dma_wait3A_198 = arith.constant 0 : i32
      %dma_wait3A_199 = arith.constant 0 : i32
      %dma_wait3A_200 = tpu.memref_slice %arg2[%dma_wait3A_198, %dma_wait3A_199] : memref<10000x832xbf16, #tpu.memory_space<hbm>> -> memref<40x832xbf16, #tpu.memory_space<hbm>>
      %dma_wait3A_201 = arith.constant 0 : i32
      %dma_wait3A_202 = arith.constant 0 : i32
      %dma_wait3A_203 = tpu.memref_slice %arg2[%dma_wait3A_201, %dma_wait3A_202] : memref<10000x832xbf16, #tpu.memory_space<hbm>> -> memref<40x832xbf16, #tpu.memory_space<hbm>>
      tpu.wait_dma2 semaphore(%arg15 : memref<!tpu.dma_semaphore, #tpu.memory_space<semaphore_mem>>) src(%dma_wait3A_203 : memref<40x832xbf16, #tpu.memory_space<hbm>>) dst(%arg10 : memref<40x832xbf16, #tpu.memory_space<vmem>>)
      %mul3A_204 = arith.constant 40 : i32
      %mul3A_205 = arith.muli %add3A_180, %mul3A_204 : i32
      %add3A_206 = arith.addi %mul3A_2, %mul3A_205 : i32
      %dma_start3A_207 = arith.constant 0 : i32
      %dma_start3A_208 = tpu.memref_slice %arg4[%add3A_206, %dma_start3A_207] : memref<160000x832xbf16, #tpu.memory_space<hbm>> -> memref<40x832xbf16, #tpu.memory_space<hbm>>
      %dma_start3A_209 = arith.constant 0 : i32
      %dma_start3A_210 = tpu.memref_slice %arg4[%add3A_206, %dma_start3A_209] : memref<160000x832xbf16, #tpu.memory_space<hbm>> -> memref<40x832xbf16, #tpu.memory_space<hbm>>
      tpu.enqueue_dma source(%arg10 : memref<40x832xbf16, #tpu.memory_space<vmem>>) target(%dma_start3A_210 : memref<40x832xbf16, #tpu.memory_space<hbm>>) target_semaphore(%arg20 : memref<!tpu.dma_semaphore, #tpu.memory_space<semaphore_mem>>)
    }
    %scan3A_26 = arith.constant 25 : i32
    %dma_wait3A = arith.constant 0 : i32
    %dma_wait3A_27 = tpu.memref_slice %arg4[%mul3A_2, %dma_wait3A] : memref<160000x832xbf16, #tpu.memory_space<hbm>> -> memref<40x832xbf16, #tpu.memory_space<hbm>>
    %dma_wait3A_28 = arith.constant 0 : i32
    %dma_wait3A_29 = tpu.memref_slice %arg4[%mul3A_2, %dma_wait3A_28] : memref<160000x832xbf16, #tpu.memory_space<hbm>> -> memref<40x832xbf16, #tpu.memory_space<hbm>>
    tpu.wait_dma2 semaphore(%arg16 : memref<!tpu.dma_semaphore, #tpu.memory_space<semaphore_mem>>) src(%arg6 : memref<40x832xbf16, #tpu.memory_space<vmem>>) dst(%dma_wait3A_29 : memref<40x832xbf16, #tpu.memory_space<hbm>>)
    %dma_wait3A_30 = arith.constant 0 : i32
    %dma_wait3A_31 = tpu.memref_slice %arg4[%mul3A_2, %dma_wait3A_30] : memref<160000x832xbf16, #tpu.memory_space<hbm>> -> memref<40x832xbf16, #tpu.memory_space<hbm>>
    %dma_wait3A_32 = arith.constant 0 : i32
    %dma_wait3A_33 = tpu.memref_slice %arg4[%mul3A_2, %dma_wait3A_32] : memref<160000x832xbf16, #tpu.memory_space<hbm>> -> memref<40x832xbf16, #tpu.memory_space<hbm>>
    tpu.wait_dma2 semaphore(%arg17 : memref<!tpu.dma_semaphore, #tpu.memory_space<semaphore_mem>>) src(%arg7 : memref<40x832xbf16, #tpu.memory_space<vmem>>) dst(%dma_wait3A_33 : memref<40x832xbf16, #tpu.memory_space<hbm>>)
    %dma_wait3A_34 = arith.constant 0 : i32
    %dma_wait3A_35 = tpu.memref_slice %arg4[%mul3A_2, %dma_wait3A_34] : memref<160000x832xbf16, #tpu.memory_space<hbm>> -> memref<40x832xbf16, #tpu.memory_space<hbm>>
    %dma_wait3A_36 = arith.constant 0 : i32
    %dma_wait3A_37 = tpu.memref_slice %arg4[%mul3A_2, %dma_wait3A_36] : memref<160000x832xbf16, #tpu.memory_space<hbm>> -> memref<40x832xbf16, #tpu.memory_space<hbm>>
    tpu.wait_dma2 semaphore(%arg18 : memref<!tpu.dma_semaphore, #tpu.memory_space<semaphore_mem>>) src(%arg8 : memref<40x832xbf16, #tpu.memory_space<vmem>>) dst(%dma_wait3A_37 : memref<40x832xbf16, #tpu.memory_space<hbm>>)
    %dma_wait3A_38 = arith.constant 0 : i32
    %dma_wait3A_39 = tpu.memref_slice %arg4[%mul3A_2, %dma_wait3A_38] : memref<160000x832xbf16, #tpu.memory_space<hbm>> -> memref<40x832xbf16, #tpu.memory_space<hbm>>
    %dma_wait3A_40 = arith.constant 0 : i32
    %dma_wait3A_41 = tpu.memref_slice %arg4[%mul3A_2, %dma_wait3A_40] : memref<160000x832xbf16, #tpu.memory_space<hbm>> -> memref<40x832xbf16, #tpu.memory_space<hbm>>
    tpu.wait_dma2 semaphore(%arg19 : memref<!tpu.dma_semaphore, #tpu.memory_space<semaphore_mem>>) src(%arg9 : memref<40x832xbf16, #tpu.memory_space<vmem>>) dst(%dma_wait3A_41 : memref<40x832xbf16, #tpu.memory_space<hbm>>)
    %dma_wait3A_42 = arith.constant 0 : i32
    %dma_wait3A_43 = tpu.memref_slice %arg4[%mul3A_2, %dma_wait3A_42] : memref<160000x832xbf16, #tpu.memory_space<hbm>> -> memref<40x832xbf16, #tpu.memory_space<hbm>>
    %dma_wait3A_44 = arith.constant 0 : i32
    %dma_wait3A_45 = tpu.memref_slice %arg4[%mul3A_2, %dma_wait3A_44] : memref<160000x832xbf16, #tpu.memory_space<hbm>> -> memref<40x832xbf16, #tpu.memory_space<hbm>>
    tpu.wait_dma2 semaphore(%arg20 : memref<!tpu.dma_semaphore, #tpu.memory_space<semaphore_mem>>) src(%arg10 : memref<40x832xbf16, #tpu.memory_space<vmem>>) dst(%dma_wait3A_45 : memref<40x832xbf16, #tpu.memory_space<hbm>>)
    return
  }
}

module attributes {stable_mosaic.version = 14 : i64} {
  func.func @_s1_body(%arg0: i32, %arg1: memref<400x128xf32, #tpu.memory_space<vmem>>, %arg2: memref<400x1024xf32, #tpu.memory_space<vmem>>, %arg3: memref<400x96xf32, #tpu.memory_space<vmem>>, %arg4: memref<400x16xf32, #tpu.memory_space<vmem>>, %arg5: memref<1152x128xf32, #tpu.memory_space<vmem>>, %arg6: memref<1024x192xf32, #tpu.memory_space<vmem>>, %arg7: memref<400x832xbf16, #tpu.memory_space<vmem>>, %arg8: memref<400x192xf32, #tpu.memory_space<vmem>>, %arg9: memref<400x144xf32, #tpu.memory_space<vmem>>, %arg10: memref<400x192xf32, #tpu.memory_space<vmem>>) attributes {dimension_semantics = [#tpu.dimension_semantics<arbitrary>], iteration_bounds = array<i64: 25>, scalar_prefetch = 0 : i64, scratch_operands = 0 : i64, tpu.core_type = #tpu.core_type<tc>, window_params = [{transform_indices = @transform_0, window_bounds = array<i64: 400, 128>}, {transform_indices = @transform_1, window_bounds = array<i64: 400, 1024>}, {transform_indices = @transform_2, window_bounds = array<i64: 400, 96>}, {transform_indices = @transform_3, window_bounds = array<i64: 400, 16>}, {pipeline_mode = #tpu.pipeline_mode<synchronous>, transform_indices = @transform_4, window_bounds = array<i64: 1152, 128>}, {pipeline_mode = #tpu.pipeline_mode<synchronous>, transform_indices = @transform_5, window_bounds = array<i64: 1024, 192>}, {transform_indices = @transform_6, window_bounds = array<i64: 400, 832>}, {transform_indices = @transform_7, window_bounds = array<i64: 400, 192>}, {transform_indices = @transform_8, window_bounds = array<i64: 400, 144>}, {transform_indices = @transform_9, window_bounds = array<i64: 400, 192>}]} {
    %get3A = arith.constant 0 : index
    %get3A_0 = arith.constant 0 : index
    %get3A_1 = vector.load %arg1[%get3A, %get3A_0] : memref<400x128xf32, #tpu.memory_space<vmem>>, vector<400x128xf32>
    %get3A_2 = arith.constant 0 : index
    %get3A_3 = arith.constant 0 : index
    %get3A_4 = vector.load %arg5[%get3A_2, %get3A_3] : memref<1152x128xf32, #tpu.memory_space<vmem>>, vector<1152x128xf32>
    %dot_general3A = arith.constant dense<0.000000e+00> : vector<400x1152xf32>
    %dot_general3A_5 = tpu.matmul %get3A_1, %get3A_4, %dot_general3A {dimension_numbers = #tpu.dot_dimension_numbers<[1], [1], [0], [0], [0, 0, 1, 0], [], []>, transpose_lhs_hint = false} : vector<400x128xf32>, vector<1152x128xf32>, vector<400x1152xf32> -> vector<400x1152xf32>
    %get3A_6 = arith.constant 0 : index
    %get3A_7 = arith.constant 0 : index
    %get3A_8 = vector.load %arg3[%get3A_6, %get3A_7] : memref<400x96xf32, #tpu.memory_space<vmem>>, vector<400x96xf32>
    %cos3A = math.cos %get3A_8 : vector<400x96xf32>
    %sin3A = math.sin %get3A_8 : vector<400x96xf32>
    %get3A_9 = arith.constant 0 : index
    %get3A_10 = arith.constant 0 : index
    %get3A_11 = vector.load %arg4[%get3A_9, %get3A_10] : memref<400x16xf32, #tpu.memory_space<vmem>>, vector<400x16xf32>
    %slice3A = vector.extract_strided_slice %dot_general3A_5 {offsets = [0, 0], sizes = [400, 192], strides = [1, 1]} : vector<400x1152xf32> to vector<400x192xf32>
    %slice3A_12 = vector.extract_strided_slice %slice3A {offsets = [0, 0], sizes = [400, 96], strides = [1, 1]} : vector<400x192xf32> to vector<400x96xf32>
    %slice3A_13 = vector.extract_strided_slice %slice3A {offsets = [0, 96], sizes = [400, 96], strides = [1, 1]} : vector<400x192xf32> to vector<400x96xf32>
    %mul3A = arith.mulf %slice3A_12, %cos3A : vector<400x96xf32>
    %mul3A_14 = arith.mulf %slice3A_13, %sin3A : vector<400x96xf32>
    %sub3A = arith.subf %mul3A, %mul3A_14 : vector<400x96xf32>
    %mul3A_15 = arith.mulf %slice3A_12, %sin3A : vector<400x96xf32>
    %mul3A_16 = arith.mulf %slice3A_13, %cos3A : vector<400x96xf32>
    %add3A = arith.addf %mul3A_15, %mul3A_16 : vector<400x96xf32>
    %concatenate3A = tpu.concatenate %sub3A, %add3A in 1 : vector<400x96xf32>, vector<400x96xf32> -> vector<400x192xf32>
    %swap3A = arith.constant 0 : index
    %swap3A_17 = arith.constant 0 : index
    %swap3A_18 = vector.load %arg8[%swap3A, %swap3A_17] : memref<400x192xf32, #tpu.memory_space<vmem>>, vector<400x192xf32>
    tpu.vector_store %arg8[%swap3A, %swap3A_17], %concatenate3A {strides = array<i32>} : memref<400x192xf32, #tpu.memory_space<vmem>>, vector<400x192xf32>,
    %slice3A_19 = vector.extract_strided_slice %dot_general3A_5 {offsets = [0, 192], sizes = [400, 192], strides = [1, 1]} : vector<400x1152xf32> to vector<400x192xf32>
    %slice3A_20 = vector.extract_strided_slice %slice3A_19 {offsets = [0, 0], sizes = [400, 96], strides = [1, 1]} : vector<400x192xf32> to vector<400x96xf32>
    %slice3A_21 = vector.extract_strided_slice %slice3A_19 {offsets = [0, 96], sizes = [400, 96], strides = [1, 1]} : vector<400x192xf32> to vector<400x96xf32>
    %mul3A_22 = arith.mulf %slice3A_20, %cos3A : vector<400x96xf32>
    %mul3A_23 = arith.mulf %slice3A_21, %sin3A : vector<400x96xf32>
    %sub3A_24 = arith.subf %mul3A_22, %mul3A_23 : vector<400x96xf32>
    %mul3A_25 = arith.mulf %slice3A_20, %sin3A : vector<400x96xf32>
    %mul3A_26 = arith.mulf %slice3A_21, %cos3A : vector<400x96xf32>
    %add3A_27 = arith.addf %mul3A_25, %mul3A_26 : vector<400x96xf32>
    %concatenate3A_28 = tpu.concatenate %sub3A_24, %add3A_27 in 1 : vector<400x96xf32>, vector<400x96xf32> -> vector<400x192xf32>
    %slice3A_29 = vector.extract_strided_slice %dot_general3A_5 {offsets = [0, 384], sizes = [400, 192], strides = [1, 1]} : vector<400x1152xf32> to vector<400x192xf32>
    %slice3A_30 = vector.extract_strided_slice %dot_general3A_5 {offsets = [0, 576], sizes = [400, 144], strides = [1, 1]} : vector<400x1152xf32> to vector<400x144xf32>
    %slice3A_31 = vector.extract_strided_slice %get3A_11 {offsets = [0, 3], sizes = [400, 1], strides = [1, 1]} : vector<400x16xf32> to vector<400x1xf32>
    %slice3A_32 = vector.extract_strided_slice %get3A_11 {offsets = [0, 0], sizes = [400, 1], strides = [1, 1]} : vector<400x16xf32> to vector<400x1xf32>
    %slice3A_33 = vector.extract_strided_slice %slice3A_30 {offsets = [0, 0], sizes = [400, 48], strides = [1, 1]} : vector<400x144xf32> to vector<400x48xf32>
    %mul3A_34 = vector.broadcast %slice3A_32 : vector<400x1xf32> to vector<400x48xf32>
    %mul3A_35 = arith.mulf %mul3A_34, %slice3A_33 : vector<400x48xf32>
    %add3A_36 = vector.broadcast %slice3A_31 : vector<400x1xf32> to vector<400x48xf32>
    %add3A_37 = arith.addf %add3A_36, %mul3A_35 : vector<400x48xf32>
    %slice3A_38 = vector.extract_strided_slice %get3A_11 {offsets = [0, 1], sizes = [400, 1], strides = [1, 1]} : vector<400x16xf32> to vector<400x1xf32>
    %slice3A_39 = vector.extract_strided_slice %slice3A_30 {offsets = [0, 48], sizes = [400, 48], strides = [1, 1]} : vector<400x144xf32> to vector<400x48xf32>
    %mul3A_40 = vector.broadcast %slice3A_38 : vector<400x1xf32> to vector<400x48xf32>
    %mul3A_41 = arith.mulf %mul3A_40, %slice3A_39 : vector<400x48xf32>
    %add3A_42 = arith.addf %add3A_37, %mul3A_41 : vector<400x48xf32>
    %slice3A_43 = vector.extract_strided_slice %get3A_11 {offsets = [0, 2], sizes = [400, 1], strides = [1, 1]} : vector<400x16xf32> to vector<400x1xf32>
    %slice3A_44 = vector.extract_strided_slice %slice3A_30 {offsets = [0, 96], sizes = [400, 48], strides = [1, 1]} : vector<400x144xf32> to vector<400x48xf32>
    %mul3A_45 = vector.broadcast %slice3A_43 : vector<400x1xf32> to vector<400x48xf32>
    %mul3A_46 = arith.mulf %mul3A_45, %slice3A_44 : vector<400x48xf32>
    %add3A_47 = arith.addf %add3A_42, %mul3A_46 : vector<400x48xf32>
    %slice3A_48 = vector.extract_strided_slice %get3A_11 {offsets = [0, 7], sizes = [400, 1], strides = [1, 1]} : vector<400x16xf32> to vector<400x1xf32>
    %slice3A_49 = vector.extract_strided_slice %get3A_11 {offsets = [0, 4], sizes = [400, 1], strides = [1, 1]} : vector<400x16xf32> to vector<400x1xf32>
    %slice3A_50 = vector.extract_strided_slice %slice3A_30 {offsets = [0, 0], sizes = [400, 48], strides = [1, 1]} : vector<400x144xf32> to vector<400x48xf32>
    %mul3A_51 = vector.broadcast %slice3A_49 : vector<400x1xf32> to vector<400x48xf32>
    %mul3A_52 = arith.mulf %mul3A_51, %slice3A_50 : vector<400x48xf32>
    %add3A_53 = vector.broadcast %slice3A_48 : vector<400x1xf32> to vector<400x48xf32>
    %add3A_54 = arith.addf %add3A_53, %mul3A_52 : vector<400x48xf32>
    %slice3A_55 = vector.extract_strided_slice %get3A_11 {offsets = [0, 5], sizes = [400, 1], strides = [1, 1]} : vector<400x16xf32> to vector<400x1xf32>
    %slice3A_56 = vector.extract_strided_slice %slice3A_30 {offsets = [0, 48], sizes = [400, 48], strides = [1, 1]} : vector<400x144xf32> to vector<400x48xf32>
    %mul3A_57 = vector.broadcast %slice3A_55 : vector<400x1xf32> to vector<400x48xf32>
    %mul3A_58 = arith.mulf %mul3A_57, %slice3A_56 : vector<400x48xf32>
    %add3A_59 = arith.addf %add3A_54, %mul3A_58 : vector<400x48xf32>
    %slice3A_60 = vector.extract_strided_slice %get3A_11 {offsets = [0, 6], sizes = [400, 1], strides = [1, 1]} : vector<400x16xf32> to vector<400x1xf32>
    %slice3A_61 = vector.extract_strided_slice %slice3A_30 {offsets = [0, 96], sizes = [400, 48], strides = [1, 1]} : vector<400x144xf32> to vector<400x48xf32>
    %mul3A_62 = vector.broadcast %slice3A_60 : vector<400x1xf32> to vector<400x48xf32>
    %mul3A_63 = arith.mulf %mul3A_62, %slice3A_61 : vector<400x48xf32>
    %add3A_64 = arith.addf %add3A_59, %mul3A_63 : vector<400x48xf32>
    %slice3A_65 = vector.extract_strided_slice %get3A_11 {offsets = [0, 11], sizes = [400, 1], strides = [1, 1]} : vector<400x16xf32> to vector<400x1xf32>
    %slice3A_66 = vector.extract_strided_slice %get3A_11 {offsets = [0, 8], sizes = [400, 1], strides = [1, 1]} : vector<400x16xf32> to vector<400x1xf32>
    %slice3A_67 = vector.extract_strided_slice %slice3A_30 {offsets = [0, 0], sizes = [400, 48], strides = [1, 1]} : vector<400x144xf32> to vector<400x48xf32>
    %mul3A_68 = vector.broadcast %slice3A_66 : vector<400x1xf32> to vector<400x48xf32>
    %mul3A_69 = arith.mulf %mul3A_68, %slice3A_67 : vector<400x48xf32>
    %add3A_70 = vector.broadcast %slice3A_65 : vector<400x1xf32> to vector<400x48xf32>
    %add3A_71 = arith.addf %add3A_70, %mul3A_69 : vector<400x48xf32>
    %slice3A_72 = vector.extract_strided_slice %get3A_11 {offsets = [0, 9], sizes = [400, 1], strides = [1, 1]} : vector<400x16xf32> to vector<400x1xf32>
    %slice3A_73 = vector.extract_strided_slice %slice3A_30 {offsets = [0, 48], sizes = [400, 48], strides = [1, 1]} : vector<400x144xf32> to vector<400x48xf32>
    %mul3A_74 = vector.broadcast %slice3A_72 : vector<400x1xf32> to vector<400x48xf32>
    %mul3A_75 = arith.mulf %mul3A_74, %slice3A_73 : vector<400x48xf32>
    %add3A_76 = arith.addf %add3A_71, %mul3A_75 : vector<400x48xf32>
    %slice3A_77 = vector.extract_strided_slice %get3A_11 {offsets = [0, 10], sizes = [400, 1], strides = [1, 1]} : vector<400x16xf32> to vector<400x1xf32>
    %slice3A_78 = vector.extract_strided_slice %slice3A_30 {offsets = [0, 96], sizes = [400, 48], strides = [1, 1]} : vector<400x144xf32> to vector<400x48xf32>
    %mul3A_79 = vector.broadcast %slice3A_77 : vector<400x1xf32> to vector<400x48xf32>
    %mul3A_80 = arith.mulf %mul3A_79, %slice3A_78 : vector<400x48xf32>
    %add3A_81 = arith.addf %add3A_76, %mul3A_80 : vector<400x48xf32>
    %concatenate3A_82 = tpu.concatenate %add3A_47, %add3A_64, %add3A_81 in 1 : vector<400x48xf32>, vector<400x48xf32>, vector<400x48xf32> -> vector<400x144xf32>
    %swap3A_83 = arith.constant 0 : index
    %swap3A_84 = arith.constant 0 : index
    %swap3A_85 = vector.load %arg9[%swap3A_83, %swap3A_84] : memref<400x144xf32, #tpu.memory_space<vmem>>, vector<400x144xf32>
    tpu.vector_store %arg9[%swap3A_83, %swap3A_84], %concatenate3A_82 {strides = array<i32>} : memref<400x144xf32, #tpu.memory_space<vmem>>, vector<400x144xf32>,
    %slice3A_86 = vector.extract_strided_slice %dot_general3A_5 {offsets = [0, 720], sizes = [400, 144], strides = [1, 1]} : vector<400x1152xf32> to vector<400x144xf32>
    %slice3A_87 = vector.extract_strided_slice %dot_general3A_5 {offsets = [0, 864], sizes = [400, 288], strides = [1, 1]} : vector<400x1152xf32> to vector<400x288xf32>
    %slice3A_88 = vector.extract_strided_slice %get3A_11 {offsets = [0, 3], sizes = [400, 1], strides = [1, 1]} : vector<400x16xf32> to vector<400x1xf32>
    %slice3A_89 = vector.extract_strided_slice %get3A_11 {offsets = [0, 0], sizes = [400, 1], strides = [1, 1]} : vector<400x16xf32> to vector<400x1xf32>
    %slice3A_90 = vector.extract_strided_slice %slice3A_87 {offsets = [0, 0], sizes = [400, 96], strides = [1, 1]} : vector<400x288xf32> to vector<400x96xf32>
    %mul3A_91 = vector.broadcast %slice3A_89 : vector<400x1xf32> to vector<400x96xf32>
    %mul3A_92 = arith.mulf %mul3A_91, %slice3A_90 : vector<400x96xf32>
    %add3A_93 = vector.broadcast %slice3A_88 : vector<400x1xf32> to vector<400x96xf32>
    %add3A_94 = arith.addf %add3A_93, %mul3A_92 : vector<400x96xf32>
    %slice3A_95 = vector.extract_strided_slice %get3A_11 {offsets = [0, 1], sizes = [400, 1], strides = [1, 1]} : vector<400x16xf32> to vector<400x1xf32>
    %slice3A_96 = vector.extract_strided_slice %slice3A_87 {offsets = [0, 96], sizes = [400, 96], strides = [1, 1]} : vector<400x288xf32> to vector<400x96xf32>
    %mul3A_97 = vector.broadcast %slice3A_95 : vector<400x1xf32> to vector<400x96xf32>
    %mul3A_98 = arith.mulf %mul3A_97, %slice3A_96 : vector<400x96xf32>
    %add3A_99 = arith.addf %add3A_94, %mul3A_98 : vector<400x96xf32>
    %slice3A_100 = vector.extract_strided_slice %get3A_11 {offsets = [0, 2], sizes = [400, 1], strides = [1, 1]} : vector<400x16xf32> to vector<400x1xf32>
    %slice3A_101 = vector.extract_strided_slice %slice3A_87 {offsets = [0, 192], sizes = [400, 96], strides = [1, 1]} : vector<400x288xf32> to vector<400x96xf32>
    %mul3A_102 = vector.broadcast %slice3A_100 : vector<400x1xf32> to vector<400x96xf32>
    %mul3A_103 = arith.mulf %mul3A_102, %slice3A_101 : vector<400x96xf32>
    %add3A_104 = arith.addf %add3A_99, %mul3A_103 : vector<400x96xf32>
    %slice3A_105 = vector.extract_strided_slice %get3A_11 {offsets = [0, 7], sizes = [400, 1], strides = [1, 1]} : vector<400x16xf32> to vector<400x1xf32>
    %slice3A_106 = vector.extract_strided_slice %get3A_11 {offsets = [0, 4], sizes = [400, 1], strides = [1, 1]} : vector<400x16xf32> to vector<400x1xf32>
    %slice3A_107 = vector.extract_strided_slice %slice3A_87 {offsets = [0, 0], sizes = [400, 96], strides = [1, 1]} : vector<400x288xf32> to vector<400x96xf32>
    %mul3A_108 = vector.broadcast %slice3A_106 : vector<400x1xf32> to vector<400x96xf32>
    %mul3A_109 = arith.mulf %mul3A_108, %slice3A_107 : vector<400x96xf32>
    %add3A_110 = vector.broadcast %slice3A_105 : vector<400x1xf32> to vector<400x96xf32>
    %add3A_111 = arith.addf %add3A_110, %mul3A_109 : vector<400x96xf32>
    %slice3A_112 = vector.extract_strided_slice %get3A_11 {offsets = [0, 5], sizes = [400, 1], strides = [1, 1]} : vector<400x16xf32> to vector<400x1xf32>
    %slice3A_113 = vector.extract_strided_slice %slice3A_87 {offsets = [0, 96], sizes = [400, 96], strides = [1, 1]} : vector<400x288xf32> to vector<400x96xf32>
    %mul3A_114 = vector.broadcast %slice3A_112 : vector<400x1xf32> to vector<400x96xf32>
    %mul3A_115 = arith.mulf %mul3A_114, %slice3A_113 : vector<400x96xf32>
    %add3A_116 = arith.addf %add3A_111, %mul3A_115 : vector<400x96xf32>
    %slice3A_117 = vector.extract_strided_slice %get3A_11 {offsets = [0, 6], sizes = [400, 1], strides = [1, 1]} : vector<400x16xf32> to vector<400x1xf32>
    %slice3A_118 = vector.extract_strided_slice %slice3A_87 {offsets = [0, 192], sizes = [400, 96], strides = [1, 1]} : vector<400x288xf32> to vector<400x96xf32>
    %mul3A_119 = vector.broadcast %slice3A_117 : vector<400x1xf32> to vector<400x96xf32>
    %mul3A_120 = arith.mulf %mul3A_119, %slice3A_118 : vector<400x96xf32>
    %add3A_121 = arith.addf %add3A_116, %mul3A_120 : vector<400x96xf32>
    %slice3A_122 = vector.extract_strided_slice %get3A_11 {offsets = [0, 11], sizes = [400, 1], strides = [1, 1]} : vector<400x16xf32> to vector<400x1xf32>
    %slice3A_123 = vector.extract_strided_slice %get3A_11 {offsets = [0, 8], sizes = [400, 1], strides = [1, 1]} : vector<400x16xf32> to vector<400x1xf32>
    %slice3A_124 = vector.extract_strided_slice %slice3A_87 {offsets = [0, 0], sizes = [400, 96], strides = [1, 1]} : vector<400x288xf32> to vector<400x96xf32>
    %mul3A_125 = vector.broadcast %slice3A_123 : vector<400x1xf32> to vector<400x96xf32>
    %mul3A_126 = arith.mulf %mul3A_125, %slice3A_124 : vector<400x96xf32>
    %add3A_127 = vector.broadcast %slice3A_122 : vector<400x1xf32> to vector<400x96xf32>
    %add3A_128 = arith.addf %add3A_127, %mul3A_126 : vector<400x96xf32>
    %slice3A_129 = vector.extract_strided_slice %get3A_11 {offsets = [0, 9], sizes = [400, 1], strides = [1, 1]} : vector<400x16xf32> to vector<400x1xf32>
    %slice3A_130 = vector.extract_strided_slice %slice3A_87 {offsets = [0, 96], sizes = [400, 96], strides = [1, 1]} : vector<400x288xf32> to vector<400x96xf32>
    %mul3A_131 = vector.broadcast %slice3A_129 : vector<400x1xf32> to vector<400x96xf32>
    %mul3A_132 = arith.mulf %mul3A_131, %slice3A_130 : vector<400x96xf32>
    %add3A_133 = arith.addf %add3A_128, %mul3A_132 : vector<400x96xf32>
    %slice3A_134 = vector.extract_strided_slice %get3A_11 {offsets = [0, 10], sizes = [400, 1], strides = [1, 1]} : vector<400x16xf32> to vector<400x1xf32>
    %slice3A_135 = vector.extract_strided_slice %slice3A_87 {offsets = [0, 192], sizes = [400, 96], strides = [1, 1]} : vector<400x288xf32> to vector<400x96xf32>
    %mul3A_136 = vector.broadcast %slice3A_134 : vector<400x1xf32> to vector<400x96xf32>
    %mul3A_137 = arith.mulf %mul3A_136, %slice3A_135 : vector<400x96xf32>
    %add3A_138 = arith.addf %add3A_133, %mul3A_137 : vector<400x96xf32>
    %concatenate3A_139 = tpu.concatenate %add3A_104, %add3A_121, %add3A_138 in 1 : vector<400x96xf32>, vector<400x96xf32>, vector<400x96xf32> -> vector<400x288xf32>
    %broadcast_in_dim3A = arith.constant 0.000000e+00 : f32
    %broadcast_in_dim3A_140 = vector.broadcast %broadcast_in_dim3A : f32 to vector<400x16xf32>
    %concatenate3A_141 = tpu.concatenate %concatenate3A_28, %slice3A_29, %slice3A_86, %concatenate3A_139, %broadcast_in_dim3A_140 in 1 : vector<400x192xf32>, vector<400x192xf32>, vector<400x144xf32>, vector<400x288xf32>, vector<400x16xf32> -> vector<400x832xf32>
    %convert_element_type3A = arith.truncf %concatenate3A_141 : vector<400x832xf32> to vector<400x832xbf16>
    %swap3A_142 = arith.constant 0 : index
    %swap3A_143 = arith.constant 0 : index
    %swap3A_144 = vector.load %arg7[%swap3A_142, %swap3A_143] : memref<400x832xbf16, #tpu.memory_space<vmem>>, vector<400x832xbf16>
    tpu.vector_store %arg7[%swap3A_142, %swap3A_143], %convert_element_type3A {strides = array<i32>} : memref<400x832xbf16, #tpu.memory_space<vmem>>, vector<400x832xbf16>,
    %get3A_145 = arith.constant 0 : index
    %get3A_146 = arith.constant 0 : index
    %get3A_147 = vector.load %arg2[%get3A_145, %get3A_146] : memref<400x1024xf32, #tpu.memory_space<vmem>>, vector<400x1024xf32>
    %get3A_148 = arith.constant 0 : index
    %get3A_149 = arith.constant 0 : index
    %get3A_150 = vector.load %arg6[%get3A_148, %get3A_149] : memref<1024x192xf32, #tpu.memory_space<vmem>>, vector<1024x192xf32>
    %dot_general3A_151 = arith.constant dense<0.000000e+00> : vector<400x192xf32>
    %dot_general3A_152 = tpu.matmul %get3A_147, %get3A_150, %dot_general3A_151 {dimension_numbers = #tpu.dot_dimension_numbers<[1], [0], [0], [1], [0, 0, 1, 1], [], []>, transpose_lhs_hint = false} : vector<400x1024xf32>, vector<1024x192xf32>, vector<400x192xf32> -> vector<400x192xf32>
    %swap3A_153 = arith.constant 0 : index
    %swap3A_154 = arith.constant 0 : index
    %swap3A_155 = vector.load %arg10[%swap3A_153, %swap3A_154] : memref<400x192xf32, #tpu.memory_space<vmem>>, vector<400x192xf32>
    tpu.vector_store %arg10[%swap3A_153, %swap3A_154], %dot_general3A_152 {strides = array<i32>} : memref<400x192xf32, #tpu.memory_space<vmem>>, vector<400x192xf32>,
    return
  }
  func.func @transform_0(%arg0: i32) -> (i32, i32) {
    %c0_i32 = arith.constant 0 : i32
    %c0_i32_0 = arith.constant 0 : i32
    return %arg0, %c0_i32 : i32, i32
  }
  func.func @transform_1(%arg0: i32) -> (i32, i32) {
    %c0_i32 = arith.constant 0 : i32
    %c0_i32_0 = arith.constant 0 : i32
    return %arg0, %c0_i32 : i32, i32
  }
  func.func @transform_2(%arg0: i32) -> (i32, i32) {
    %c0_i32 = arith.constant 0 : i32
    %c0_i32_0 = arith.constant 0 : i32
    return %arg0, %c0_i32 : i32, i32
  }
  func.func @transform_3(%arg0: i32) -> (i32, i32) {
    %c0_i32 = arith.constant 0 : i32
    %c0_i32_0 = arith.constant 0 : i32
    return %arg0, %c0_i32 : i32, i32
  }
  func.func @transform_4(%arg0: i32) -> (i32, i32) {
    %c0_i32 = arith.constant 0 : i32
    %c0_i32_0 = arith.constant 0 : i32
    %c0_i32_1 = arith.constant 0 : i32
    return %c0_i32, %c0_i32_0 : i32, i32
  }
  func.func @transform_5(%arg0: i32) -> (i32, i32) {
    %c0_i32 = arith.constant 0 : i32
    %c0_i32_0 = arith.constant 0 : i32
    %c0_i32_1 = arith.constant 0 : i32
    return %c0_i32, %c0_i32_0 : i32, i32
  }
  func.func @transform_6(%arg0: i32) -> (i32, i32) {
    %c0_i32 = arith.constant 0 : i32
    %c0_i32_0 = arith.constant 0 : i32
    return %arg0, %c0_i32 : i32, i32
  }
  func.func @transform_7(%arg0: i32) -> (i32, i32) {
    %c0_i32 = arith.constant 0 : i32
    %c0_i32_0 = arith.constant 0 : i32
    return %arg0, %c0_i32 : i32, i32
  }
  func.func @transform_8(%arg0: i32) -> (i32, i32) {
    %c0_i32 = arith.constant 0 : i32
    %c0_i32_0 = arith.constant 0 : i32
    return %arg0, %c0_i32 : i32, i32
  }
  func.func @transform_9(%arg0: i32) -> (i32, i32) {
    %c0_i32 = arith.constant 0 : i32
    %c0_i32_0 = arith.constant 0 : i32
    return %arg0, %c0_i32 : i32, i32
  }
}

module attributes {stable_mosaic.version = 14 : i64} {
  func.func @_s3_body(%arg0: i32, %arg1: memref<1280x832xbf16, #tpu.memory_space<vmem>>, %arg2: memref<80x192xf32, #tpu.memory_space<vmem>>, %arg3: memref<80x144xf32, #tpu.memory_space<vmem>>, %arg4: memref<80x192xf32, #tpu.memory_space<vmem>>, %arg5: memref<80x1024xf32, #tpu.memory_space<vmem>>, %arg6: memref<80x16xf32, #tpu.memory_space<vmem>>, %arg7: memref<80x128xf32, #tpu.memory_space<vmem>>, %arg8: memref<1x12xf32, #tpu.memory_space<vmem>>, %arg9: memref<128x1344xf32, #tpu.memory_space<vmem>>, %arg10: memref<1x128xf32, #tpu.memory_space<vmem>>, %arg11: memref<1x128xf32, #tpu.memory_space<vmem>>, %arg12: memref<1x128xf32, #tpu.memory_space<vmem>>, %arg13: memref<80x128xf32, #tpu.memory_space<vmem>>) attributes {dimension_semantics = [#tpu.dimension_semantics<arbitrary>], iteration_bounds = array<i64: 125>, scalar_prefetch = 0 : i64, scratch_operands = 0 : i64, tpu.core_type = #tpu.core_type<tc>, window_params = [{transform_indices = @transform_0, window_bounds = array<i64: 1280, 832>}, {transform_indices = @transform_1, window_bounds = array<i64: 80, 192>}, {transform_indices = @transform_2, window_bounds = array<i64: 80, 144>}, {transform_indices = @transform_3, window_bounds = array<i64: 80, 192>}, {transform_indices = @transform_4, window_bounds = array<i64: 80, 1024>}, {transform_indices = @transform_5, window_bounds = array<i64: 80, 16>}, {transform_indices = @transform_6, window_bounds = array<i64: 80, 128>}, {pipeline_mode = #tpu.pipeline_mode<synchronous>, transform_indices = @transform_7, window_bounds = array<i64: 1, 12>}, {pipeline_mode = #tpu.pipeline_mode<synchronous>, transform_indices = @transform_8, window_bounds = array<i64: 128, 1344>}, {pipeline_mode = #tpu.pipeline_mode<synchronous>, transform_indices = @transform_9, window_bounds = array<i64: 1, 128>}, {pipeline_mode = #tpu.pipeline_mode<synchronous>, transform_indices = @transform_10, window_bounds = array<i64: 1, 128>}, {pipeline_mode = #tpu.pipeline_mode<synchronous>, transform_indices = @transform_11, window_bounds = array<i64: 1, 128>}, {transform_indices = @transform_12, window_bounds = array<i64: 80, 128>}]} {
    %get3A = arith.constant 0 : index
    %get3A_0 = arith.constant 0 : index
    %get3A_1 = vector.load %arg1[%get3A, %get3A_0] : memref<1280x832xbf16, #tpu.memory_space<vmem>>, vector<1280x832xbf16>
    %reshape3A = vector.shape_cast %get3A_1 : vector<1280x832xbf16> to vector<80x16x832xbf16>
    %get3A_2 = arith.constant 0 : index
    %get3A_3 = arith.constant 0 : index
    %get3A_4 = vector.load %arg6[%get3A_2, %get3A_3] : memref<80x16xf32, #tpu.memory_space<vmem>>, vector<80x16xf32>
    %iota3A = tpu.iota {dimensions = array<i32: 0>} : vector<192x12xi32>
    %jit3A = arith.constant 16 : i32
    %div3A = vector.broadcast %jit3A : i32 to vector<192x12xi32>
    %div3A_5 = arith.divsi %iota3A, %div3A : vector<192x12xi32>
    %sign3A = arith.constant 0 : i32
    %sign3A_6 = vector.broadcast %sign3A : i32 to vector<192x12xi32>
    %sign3A_7 = arith.cmpi sgt, %iota3A, %sign3A_6 : vector<192x12xi32>
    %sign3A_8 = arith.extui %sign3A_7 : vector<192x12xi1> to vector<192x12xi32>
    %sign3A_9 = arith.constant 0 : i32
    %sign3A_10 = vector.broadcast %sign3A_9 : i32 to vector<192x12xi32>
    %sign3A_11 = arith.cmpi slt, %iota3A, %sign3A_10 : vector<192x12xi32>
    %sign3A_12 = arith.extui %sign3A_11 : vector<192x12xi1> to vector<192x12xi32>
    %sign3A_13 = arith.subi %sign3A_8, %sign3A_12 : vector<192x12xi32>
    %sign3A_14 = arith.constant 0 : i32
    %sign3A_15 = arith.cmpi sgt, %jit3A, %sign3A_14 : i32
    %sign3A_16 = arith.extui %sign3A_15 : i1 to i32
    %sign3A_17 = arith.constant 0 : i32
    %sign3A_18 = arith.cmpi slt, %jit3A, %sign3A_17 : i32
    %sign3A_19 = arith.extui %sign3A_18 : i1 to i32
    %sign3A_20 = arith.subi %sign3A_16, %sign3A_19 : i32
    %ne3A = vector.broadcast %sign3A_20 : i32 to vector<192x12xi32>
    %ne3A_21 = arith.cmpi ne, %sign3A_13, %ne3A : vector<192x12xi32>
    %rem3A = vector.broadcast %jit3A : i32 to vector<192x12xi32>
    %rem3A_22 = arith.remsi %iota3A, %rem3A : vector<192x12xi32>
    %ne3A_23 = arith.constant 0 : i32
    %ne3A_24 = vector.broadcast %ne3A_23 : i32 to vector<192x12xi32>
    %ne3A_25 = arith.cmpi ne, %rem3A_22, %ne3A_24 : vector<192x12xi32>
    %and3A = arith.andi %ne3A_21, %ne3A_25 : vector<192x12xi1>
    %sub3A = arith.constant 1 : i32
    %sub3A_26 = vector.broadcast %sub3A : i32 to vector<192x12xi32>
    %sub3A_27 = arith.subi %div3A_5, %sub3A_26 : vector<192x12xi32>
    %select_n3A = arith.select %and3A, %sub3A_27, %div3A_5 : vector<192x12xi1>, vector<192x12xi32>
    %iota3A_28 = tpu.iota {dimensions = array<i32: 1>} : vector<192x12xi32>
    %eq3A = arith.cmpi eq, %select_n3A, %iota3A_28 : vector<192x12xi32>
    %convert_element_type3A = arith.extui %eq3A : vector<192x12xi1> to vector<192x12xi32>
    %convert_element_type3A_29 = arith.sitofp %convert_element_type3A : vector<192x12xi32> to vector<192x12xf32>
    %iota3A_30 = tpu.iota {dimensions = array<i32: 0>} : vector<48x12xi32>
    %jit3A_31 = arith.constant 4 : i32
    %div3A_32 = vector.broadcast %jit3A_31 : i32 to vector<48x12xi32>
    %div3A_33 = arith.divsi %iota3A_30, %div3A_32 : vector<48x12xi32>
    %sign3A_34 = arith.constant 0 : i32
    %sign3A_35 = vector.broadcast %sign3A_34 : i32 to vector<48x12xi32>
    %sign3A_36 = arith.cmpi sgt, %iota3A_30, %sign3A_35 : vector<48x12xi32>
    %sign3A_37 = arith.extui %sign3A_36 : vector<48x12xi1> to vector<48x12xi32>
    %sign3A_38 = arith.constant 0 : i32
    %sign3A_39 = vector.broadcast %sign3A_38 : i32 to vector<48x12xi32>
    %sign3A_40 = arith.cmpi slt, %iota3A_30, %sign3A_39 : vector<48x12xi32>
    %sign3A_41 = arith.extui %sign3A_40 : vector<48x12xi1> to vector<48x12xi32>
    %sign3A_42 = arith.subi %sign3A_37, %sign3A_41 : vector<48x12xi32>
    %sign3A_43 = arith.constant 0 : i32
    %sign3A_44 = arith.cmpi sgt, %jit3A_31, %sign3A_43 : i32
    %sign3A_45 = arith.extui %sign3A_44 : i1 to i32
    %sign3A_46 = arith.constant 0 : i32
    %sign3A_47 = arith.cmpi slt, %jit3A_31, %sign3A_46 : i32
    %sign3A_48 = arith.extui %sign3A_47 : i1 to i32
    %sign3A_49 = arith.subi %sign3A_45, %sign3A_48 : i32
    %ne3A_50 = vector.broadcast %sign3A_49 : i32 to vector<48x12xi32>
    %ne3A_51 = arith.cmpi ne, %sign3A_42, %ne3A_50 : vector<48x12xi32>
    %rem3A_52 = vector.broadcast %jit3A_31 : i32 to vector<48x12xi32>
    %rem3A_53 = arith.remsi %iota3A_30, %rem3A_52 : vector<48x12xi32>
    %ne3A_54 = arith.constant 0 : i32
    %ne3A_55 = vector.broadcast %ne3A_54 : i32 to vector<48x12xi32>
    %ne3A_56 = arith.cmpi ne, %rem3A_53, %ne3A_55 : vector<48x12xi32>
    %and3A_57 = arith.andi %ne3A_51, %ne3A_56 : vector<48x12xi1>
    %sub3A_58 = arith.constant 1 : i32
    %sub3A_59 = vector.broadcast %sub3A_58 : i32 to vector<48x12xi32>
    %sub3A_60 = arith.subi %div3A_33, %sub3A_59 : vector<48x12xi32>
    %select_n3A_61 = arith.select %and3A_57, %sub3A_60, %div3A_33 : vector<48x12xi1>, vector<48x12xi32>
    %iota3A_62 = tpu.iota {dimensions = array<i32: 1>} : vector<48x12xi32>
    %eq3A_63 = arith.cmpi eq, %select_n3A_61, %iota3A_62 : vector<48x12xi32>
    %convert_element_type3A_64 = arith.extui %eq3A_63 : vector<48x12xi1> to vector<48x12xi32>
    %convert_element_type3A_65 = arith.sitofp %convert_element_type3A_64 : vector<48x12xi32> to vector<48x12xf32>
    %iota3A_66 = tpu.iota {dimensions = array<i32: 0>} : vector<96x12xi32>
    %jit3A_67 = arith.constant 8 : i32
    %div3A_68 = vector.broadcast %jit3A_67 : i32 to vector<96x12xi32>
    %div3A_69 = arith.divsi %iota3A_66, %div3A_68 : vector<96x12xi32>
    %sign3A_70 = arith.constant 0 : i32
    %sign3A_71 = vector.broadcast %sign3A_70 : i32 to vector<96x12xi32>
    %sign3A_72 = arith.cmpi sgt, %iota3A_66, %sign3A_71 : vector<96x12xi32>
    %sign3A_73 = arith.extui %sign3A_72 : vector<96x12xi1> to vector<96x12xi32>
    %sign3A_74 = arith.constant 0 : i32
    %sign3A_75 = vector.broadcast %sign3A_74 : i32 to vector<96x12xi32>
    %sign3A_76 = arith.cmpi slt, %iota3A_66, %sign3A_75 : vector<96x12xi32>
    %sign3A_77 = arith.extui %sign3A_76 : vector<96x12xi1> to vector<96x12xi32>
    %sign3A_78 = arith.subi %sign3A_73, %sign3A_77 : vector<96x12xi32>
    %sign3A_79 = arith.constant 0 : i32
    %sign3A_80 = arith.cmpi sgt, %jit3A_67, %sign3A_79 : i32
    %sign3A_81 = arith.extui %sign3A_80 : i1 to i32
    %sign3A_82 = arith.constant 0 : i32
    %sign3A_83 = arith.cmpi slt, %jit3A_67, %sign3A_82 : i32
    %sign3A_84 = arith.extui %sign3A_83 : i1 to i32
    %sign3A_85 = arith.subi %sign3A_81, %sign3A_84 : i32
    %ne3A_86 = vector.broadcast %sign3A_85 : i32 to vector<96x12xi32>
    %ne3A_87 = arith.cmpi ne, %sign3A_78, %ne3A_86 : vector<96x12xi32>
    %rem3A_88 = vector.broadcast %jit3A_67 : i32 to vector<96x12xi32>
    %rem3A_89 = arith.remsi %iota3A_66, %rem3A_88 : vector<96x12xi32>
    %ne3A_90 = arith.constant 0 : i32
    %ne3A_91 = vector.broadcast %ne3A_90 : i32 to vector<96x12xi32>
    %ne3A_92 = arith.cmpi ne, %rem3A_89, %ne3A_91 : vector<96x12xi32>
    %and3A_93 = arith.andi %ne3A_87, %ne3A_92 : vector<96x12xi1>
    %sub3A_94 = arith.constant 1 : i32
    %sub3A_95 = vector.broadcast %sub3A_94 : i32 to vector<96x12xi32>
    %sub3A_96 = arith.subi %div3A_69, %sub3A_95 : vector<96x12xi32>
    %select_n3A_97 = arith.select %and3A_93, %sub3A_96, %div3A_69 : vector<96x12xi1>, vector<96x12xi32>
    %iota3A_98 = tpu.iota {dimensions = array<i32: 1>} : vector<96x12xi32>
    %eq3A_99 = arith.cmpi eq, %select_n3A_97, %iota3A_98 : vector<96x12xi32>
    %convert_element_type3A_100 = arith.extui %eq3A_99 : vector<96x12xi1> to vector<96x12xi32>
    %convert_element_type3A_101 = arith.sitofp %convert_element_type3A_100 : vector<96x12xi32> to vector<96x12xf32>
    %iota3A_102 = tpu.iota {dimensions = array<i32: 0>} : vector<192x12xi32>
    %iota3A_103 = tpu.iota {dimensions = array<i32: 1>} : vector<192x12xi32>
    %jit3A_104 = arith.constant 96 : i32
    %eq3A_105 = arith.constant 0 : i32
    %eq3A_106 = arith.cmpi eq, %jit3A_104, %eq3A_105 : i32
    %jit3A_107 = arith.constant 1 : i32
    %select_n3A_108 = arith.select %eq3A_106, %jit3A_107, %jit3A_104 : i32
    %rem3A_109 = vector.broadcast %select_n3A_108 : i32 to vector<192x12xi32>
    %rem3A_110 = arith.remsi %iota3A_102, %rem3A_109 : vector<192x12xi32>
    %ne3A_111 = arith.constant 0 : i32
    %ne3A_112 = vector.broadcast %ne3A_111 : i32 to vector<192x12xi32>
    %ne3A_113 = arith.cmpi ne, %rem3A_110, %ne3A_112 : vector<192x12xi32>
    %lt3A = arith.constant 0 : i32
    %lt3A_114 = vector.broadcast %lt3A : i32 to vector<192x12xi32>
    %lt3A_115 = arith.cmpi slt, %rem3A_110, %lt3A_114 : vector<192x12xi32>
    %lt3A_116 = arith.constant 0 : i32
    %lt3A_117 = arith.cmpi slt, %select_n3A_108, %lt3A_116 : i32
    %ne3A_118 = vector.broadcast %lt3A_117 : i1 to vector<192x12xi1>
    %ne3A_119 = vector.broadcast %ne3A_118 : vector<192x12xi1> to vector<192x12xi1>
    %ne3A_120 = arith.xori %lt3A_115, %ne3A_119 : vector<192x12xi1>
    %and3A_121 = arith.andi %ne3A_120, %ne3A_113 : vector<192x12xi1>
    %add3A = vector.broadcast %select_n3A_108 : i32 to vector<192x12xi32>
    %add3A_122 = arith.addi %rem3A_110, %add3A : vector<192x12xi32>
    %select_n3A_123 = arith.select %and3A_121, %add3A_122, %rem3A_110 : vector<192x12xi1>, vector<192x12xi32>
    %jit3A_124 = arith.constant 8 : i32
    %div3A_125 = vector.broadcast %jit3A_124 : i32 to vector<192x12xi32>
    %div3A_126 = arith.divsi %select_n3A_123, %div3A_125 : vector<192x12xi32>
    %sign3A_127 = arith.constant 0 : i32
    %sign3A_128 = vector.broadcast %sign3A_127 : i32 to vector<192x12xi32>
    %sign3A_129 = arith.cmpi sgt, %select_n3A_123, %sign3A_128 : vector<192x12xi32>
    %sign3A_130 = arith.extui %sign3A_129 : vector<192x12xi1> to vector<192x12xi32>
    %sign3A_131 = arith.constant 0 : i32
    %sign3A_132 = vector.broadcast %sign3A_131 : i32 to vector<192x12xi32>
    %sign3A_133 = arith.cmpi slt, %select_n3A_123, %sign3A_132 : vector<192x12xi32>
    %sign3A_134 = arith.extui %sign3A_133 : vector<192x12xi1> to vector<192x12xi32>
    %sign3A_135 = arith.subi %sign3A_130, %sign3A_134 : vector<192x12xi32>
    %sign3A_136 = arith.constant 0 : i32
    %sign3A_137 = arith.cmpi sgt, %jit3A_124, %sign3A_136 : i32
    %sign3A_138 = arith.extui %sign3A_137 : i1 to i32
    %sign3A_139 = arith.constant 0 : i32
    %sign3A_140 = arith.cmpi slt, %jit3A_124, %sign3A_139 : i32
    %sign3A_141 = arith.extui %sign3A_140 : i1 to i32
    %sign3A_142 = arith.subi %sign3A_138, %sign3A_141 : i32
    %ne3A_143 = vector.broadcast %sign3A_142 : i32 to vector<192x12xi32>
    %ne3A_144 = arith.cmpi ne, %sign3A_135, %ne3A_143 : vector<192x12xi32>
    %rem3A_145 = vector.broadcast %jit3A_124 : i32 to vector<192x12xi32>
    %rem3A_146 = arith.remsi %select_n3A_123, %rem3A_145 : vector<192x12xi32>
    %ne3A_147 = arith.constant 0 : i32
    %ne3A_148 = vector.broadcast %ne3A_147 : i32 to vector<192x12xi32>
    %ne3A_149 = arith.cmpi ne, %rem3A_146, %ne3A_148 : vector<192x12xi32>
    %and3A_150 = arith.andi %ne3A_144, %ne3A_149 : vector<192x12xi1>
    %sub3A_151 = arith.constant 1 : i32
    %sub3A_152 = vector.broadcast %sub3A_151 : i32 to vector<192x12xi32>
    %sub3A_153 = arith.subi %div3A_126, %sub3A_152 : vector<192x12xi32>
    %select_n3A_154 = arith.select %and3A_150, %sub3A_153, %div3A_126 : vector<192x12xi1>, vector<192x12xi32>
    %eq3A_155 = arith.cmpi eq, %select_n3A_154, %iota3A_103 : vector<192x12xi32>
    %convert_element_type3A_156 = arith.extui %eq3A_155 : vector<192x12xi1> to vector<192x12xi32>
    %convert_element_type3A_157 = arith.sitofp %convert_element_type3A_156 : vector<192x12xi32> to vector<192x12xf32>
    %slice3A = vector.extract_strided_slice %reshape3A {offsets = [0, 0, 0], sizes = [80, 16, 192], strides = [1, 1, 1]} : vector<80x16x832xbf16> to vector<80x16x192xbf16>
    %convert_element_type3A_158 = arith.extf %slice3A : vector<80x16x192xbf16> to vector<80x16x192xf32>
    %get3A_159 = arith.constant 0 : index
    %get3A_160 = arith.constant 0 : index
    %get3A_161 = vector.load %arg2[%get3A_159, %get3A_160] : memref<80x192xf32, #tpu.memory_space<vmem>>, vector<80x192xf32>
    %reshape3A_162 = vector.shape_cast %get3A_161 : vector<80x192xf32> to vector<80x1x192xf32>
    %mul3A = vector.broadcast %reshape3A_162 : vector<80x1x192xf32> to vector<80x16x192xf32>
    %mul3A_163 = arith.mulf %convert_element_type3A_158, %mul3A : vector<80x16x192xf32>
    %dot_general3A = arith.constant dense<0.000000e+00> : vector<80x16x12xf32>
    %dot_general3A_164 = tpu.matmul %mul3A_163, %convert_element_type3A_157, %dot_general3A {dimension_numbers = #tpu.dot_dimension_numbers<[2], [0], [0, 1], [1], [0, 0, 0, 1, 1, 1], [], []>, transpose_lhs_hint = false} : vector<80x16x192xf32>, vector<192x12xf32>, vector<80x16x12xf32> -> vector<80x16x12xf32>
    %slice3A_165 = vector.extract_strided_slice %reshape3A {offsets = [0, 0, 384], sizes = [80, 16, 144], strides = [1, 1, 1]} : vector<80x16x832xbf16> to vector<80x16x144xbf16>
    %convert_element_type3A_166 = arith.extf %slice3A_165 : vector<80x16x144xbf16> to vector<80x16x144xf32>
    %slice3A_167 = vector.extract_strided_slice %get3A_4 {offsets = [0, 3], sizes = [80, 1], strides = [1, 1]} : vector<80x16xf32> to vector<80x1xf32>
    %squeeze3A = vector.shape_cast %slice3A_167 : vector<80x1xf32> to vector<80xf32>
    %reshape3A_168 = vector.shape_cast %squeeze3A : vector<80xf32> to vector<80x1x1xf32>
    %slice3A_169 = vector.extract_strided_slice %get3A_4 {offsets = [0, 0], sizes = [80, 1], strides = [1, 1]} : vector<80x16xf32> to vector<80x1xf32>
    %squeeze3A_170 = vector.shape_cast %slice3A_169 : vector<80x1xf32> to vector<80xf32>
    %reshape3A_171 = vector.shape_cast %squeeze3A_170 : vector<80xf32> to vector<80x1x1xf32>
    %slice3A_172 = vector.extract_strided_slice %convert_element_type3A_166 {offsets = [0, 0, 0], sizes = [80, 16, 48], strides = [1, 1, 1]} : vector<80x16x144xf32> to vector<80x16x48xf32>
    %mul3A_173 = vector.broadcast %reshape3A_171 : vector<80x1x1xf32> to vector<80x16x48xf32>
    %mul3A_174 = arith.mulf %mul3A_173, %slice3A_172 : vector<80x16x48xf32>
    %add3A_175 = vector.broadcast %reshape3A_168 : vector<80x1x1xf32> to vector<80x16x48xf32>
    %add3A_176 = arith.addf %add3A_175, %mul3A_174 : vector<80x16x48xf32>
    %slice3A_177 = vector.extract_strided_slice %get3A_4 {offsets = [0, 1], sizes = [80, 1], strides = [1, 1]} : vector<80x16xf32> to vector<80x1xf32>
    %squeeze3A_178 = vector.shape_cast %slice3A_177 : vector<80x1xf32> to vector<80xf32>
    %reshape3A_179 = vector.shape_cast %squeeze3A_178 : vector<80xf32> to vector<80x1x1xf32>
    %slice3A_180 = vector.extract_strided_slice %convert_element_type3A_166 {offsets = [0, 0, 48], sizes = [80, 16, 48], strides = [1, 1, 1]} : vector<80x16x144xf32> to vector<80x16x48xf32>
    %mul3A_181 = vector.broadcast %reshape3A_179 : vector<80x1x1xf32> to vector<80x16x48xf32>
    %mul3A_182 = arith.mulf %mul3A_181, %slice3A_180 : vector<80x16x48xf32>
    %add3A_183 = arith.addf %add3A_176, %mul3A_182 : vector<80x16x48xf32>
    %slice3A_184 = vector.extract_strided_slice %get3A_4 {offsets = [0, 2], sizes = [80, 1], strides = [1, 1]} : vector<80x16xf32> to vector<80x1xf32>
    %squeeze3A_185 = vector.shape_cast %slice3A_184 : vector<80x1xf32> to vector<80xf32>
    %reshape3A_186 = vector.shape_cast %squeeze3A_185 : vector<80xf32> to vector<80x1x1xf32>
    %slice3A_187 = vector.extract_strided_slice %convert_element_type3A_166 {offsets = [0, 0, 96], sizes = [80, 16, 48], strides = [1, 1, 1]} : vector<80x16x144xf32> to vector<80x16x48xf32>
    %mul3A_188 = vector.broadcast %reshape3A_186 : vector<80x1x1xf32> to vector<80x16x48xf32>
    %mul3A_189 = arith.mulf %mul3A_188, %slice3A_187 : vector<80x16x48xf32>
    %add3A_190 = arith.addf %add3A_183, %mul3A_189 : vector<80x16x48xf32>
    %slice3A_191 = vector.extract_strided_slice %get3A_4 {offsets = [0, 7], sizes = [80, 1], strides = [1, 1]} : vector<80x16xf32> to vector<80x1xf32>
    %squeeze3A_192 = vector.shape_cast %slice3A_191 : vector<80x1xf32> to vector<80xf32>
    %reshape3A_193 = vector.shape_cast %squeeze3A_192 : vector<80xf32> to vector<80x1x1xf32>
    %slice3A_194 = vector.extract_strided_slice %get3A_4 {offsets = [0, 4], sizes = [80, 1], strides = [1, 1]} : vector<80x16xf32> to vector<80x1xf32>
    %squeeze3A_195 = vector.shape_cast %slice3A_194 : vector<80x1xf32> to vector<80xf32>
    %reshape3A_196 = vector.shape_cast %squeeze3A_195 : vector<80xf32> to vector<80x1x1xf32>
    %slice3A_197 = vector.extract_strided_slice %convert_element_type3A_166 {offsets = [0, 0, 0], sizes = [80, 16, 48], strides = [1, 1, 1]} : vector<80x16x144xf32> to vector<80x16x48xf32>
    %mul3A_198 = vector.broadcast %reshape3A_196 : vector<80x1x1xf32> to vector<80x16x48xf32>
    %mul3A_199 = arith.mulf %mul3A_198, %slice3A_197 : vector<80x16x48xf32>
    %add3A_200 = vector.broadcast %reshape3A_193 : vector<80x1x1xf32> to vector<80x16x48xf32>
    %add3A_201 = arith.addf %add3A_200, %mul3A_199 : vector<80x16x48xf32>
    %slice3A_202 = vector.extract_strided_slice %get3A_4 {offsets = [0, 5], sizes = [80, 1], strides = [1, 1]} : vector<80x16xf32> to vector<80x1xf32>
    %squeeze3A_203 = vector.shape_cast %slice3A_202 : vector<80x1xf32> to vector<80xf32>
    %reshape3A_204 = vector.shape_cast %squeeze3A_203 : vector<80xf32> to vector<80x1x1xf32>
    %slice3A_205 = vector.extract_strided_slice %convert_element_type3A_166 {offsets = [0, 0, 48], sizes = [80, 16, 48], strides = [1, 1, 1]} : vector<80x16x144xf32> to vector<80x16x48xf32>
    %mul3A_206 = vector.broadcast %reshape3A_204 : vector<80x1x1xf32> to vector<80x16x48xf32>
    %mul3A_207 = arith.mulf %mul3A_206, %slice3A_205 : vector<80x16x48xf32>
    %add3A_208 = arith.addf %add3A_201, %mul3A_207 : vector<80x16x48xf32>
    %slice3A_209 = vector.extract_strided_slice %get3A_4 {offsets = [0, 6], sizes = [80, 1], strides = [1, 1]} : vector<80x16xf32> to vector<80x1xf32>
    %squeeze3A_210 = vector.shape_cast %slice3A_209 : vector<80x1xf32> to vector<80xf32>
    %reshape3A_211 = vector.shape_cast %squeeze3A_210 : vector<80xf32> to vector<80x1x1xf32>
    %slice3A_212 = vector.extract_strided_slice %convert_element_type3A_166 {offsets = [0, 0, 96], sizes = [80, 16, 48], strides = [1, 1, 1]} : vector<80x16x144xf32> to vector<80x16x48xf32>
    %mul3A_213 = vector.broadcast %reshape3A_211 : vector<80x1x1xf32> to vector<80x16x48xf32>
    %mul3A_214 = arith.mulf %mul3A_213, %slice3A_212 : vector<80x16x48xf32>
    %add3A_215 = arith.addf %add3A_208, %mul3A_214 : vector<80x16x48xf32>
    %slice3A_216 = vector.extract_strided_slice %get3A_4 {offsets = [0, 11], sizes = [80, 1], strides = [1, 1]} : vector<80x16xf32> to vector<80x1xf32>
    %squeeze3A_217 = vector.shape_cast %slice3A_216 : vector<80x1xf32> to vector<80xf32>
    %reshape3A_218 = vector.shape_cast %squeeze3A_217 : vector<80xf32> to vector<80x1x1xf32>
    %slice3A_219 = vector.extract_strided_slice %get3A_4 {offsets = [0, 8], sizes = [80, 1], strides = [1, 1]} : vector<80x16xf32> to vector<80x1xf32>
    %squeeze3A_220 = vector.shape_cast %slice3A_219 : vector<80x1xf32> to vector<80xf32>
    %reshape3A_221 = vector.shape_cast %squeeze3A_220 : vector<80xf32> to vector<80x1x1xf32>
    %slice3A_222 = vector.extract_strided_slice %convert_element_type3A_166 {offsets = [0, 0, 0], sizes = [80, 16, 48], strides = [1, 1, 1]} : vector<80x16x144xf32> to vector<80x16x48xf32>
    %mul3A_223 = vector.broadcast %reshape3A_221 : vector<80x1x1xf32> to vector<80x16x48xf32>
    %mul3A_224 = arith.mulf %mul3A_223, %slice3A_222 : vector<80x16x48xf32>
    %add3A_225 = vector.broadcast %reshape3A_218 : vector<80x1x1xf32> to vector<80x16x48xf32>
    %add3A_226 = arith.addf %add3A_225, %mul3A_224 : vector<80x16x48xf32>
    %slice3A_227 = vector.extract_strided_slice %get3A_4 {offsets = [0, 9], sizes = [80, 1], strides = [1, 1]} : vector<80x16xf32> to vector<80x1xf32>
    %squeeze3A_228 = vector.shape_cast %slice3A_227 : vector<80x1xf32> to vector<80xf32>
    %reshape3A_229 = vector.shape_cast %squeeze3A_228 : vector<80xf32> to vector<80x1x1xf32>
    %slice3A_230 = vector.extract_strided_slice %convert_element_type3A_166 {offsets = [0, 0, 48], sizes = [80, 16, 48], strides = [1, 1, 1]} : vector<80x16x144xf32> to vector<80x16x48xf32>
    %mul3A_231 = vector.broadcast %reshape3A_229 : vector<80x1x1xf32> to vector<80x16x48xf32>
    %mul3A_232 = arith.mulf %mul3A_231, %slice3A_230 : vector<80x16x48xf32>
    %add3A_233 = arith.addf %add3A_226, %mul3A_232 : vector<80x16x48xf32>
    %slice3A_234 = vector.extract_strided_slice %get3A_4 {offsets = [0, 10], sizes = [80, 1], strides = [1, 1]} : vector<80x16xf32> to vector<80x1xf32>
    %squeeze3A_235 = vector.shape_cast %slice3A_234 : vector<80x1xf32> to vector<80xf32>
    %reshape3A_236 = vector.shape_cast %squeeze3A_235 : vector<80xf32> to vector<80x1x1xf32>
    %slice3A_237 = vector.extract_strided_slice %convert_element_type3A_166 {offsets = [0, 0, 96], sizes = [80, 16, 48], strides = [1, 1, 1]} : vector<80x16x144xf32> to vector<80x16x48xf32>
    %mul3A_238 = vector.broadcast %reshape3A_236 : vector<80x1x1xf32> to vector<80x16x48xf32>
    %mul3A_239 = arith.mulf %mul3A_238, %slice3A_237 : vector<80x16x48xf32>
    %add3A_240 = arith.addf %add3A_233, %mul3A_239 : vector<80x16x48xf32>
    %get3A_241 = arith.constant 0 : index
    %get3A_242 = arith.constant 0 : index
    %get3A_243 = vector.load %arg3[%get3A_241, %get3A_242] : memref<80x144xf32, #tpu.memory_space<vmem>>, vector<80x144xf32>
    %reshape3A_244 = vector.shape_cast %get3A_243 : vector<80x144xf32> to vector<80x1x144xf32>
    %slice3A_245 = vector.extract_strided_slice %reshape3A_244 {offsets = [0, 0, 0], sizes = [80, 1, 48], strides = [1, 1, 1]} : vector<80x1x144xf32> to vector<80x1x48xf32>
    %sub3A_246 = vector.broadcast %slice3A_245 : vector<80x1x48xf32> to vector<80x16x48xf32>
    %sub3A_247 = arith.subf %sub3A_246, %add3A_190 : vector<80x16x48xf32>
    %slice3A_248 = vector.extract_strided_slice %reshape3A_244 {offsets = [0, 0, 48], sizes = [80, 1, 48], strides = [1, 1, 1]} : vector<80x1x144xf32> to vector<80x1x48xf32>
    %sub3A_249 = vector.broadcast %slice3A_248 : vector<80x1x48xf32> to vector<80x16x48xf32>
    %sub3A_250 = arith.subf %sub3A_249, %add3A_215 : vector<80x16x48xf32>
    %slice3A_251 = vector.extract_strided_slice %reshape3A_244 {offsets = [0, 0, 96], sizes = [80, 1, 48], strides = [1, 1, 1]} : vector<80x1x144xf32> to vector<80x1x48xf32>
    %sub3A_252 = vector.broadcast %slice3A_251 : vector<80x1x48xf32> to vector<80x16x48xf32>
    %sub3A_253 = arith.subf %sub3A_252, %add3A_240 : vector<80x16x48xf32>
    %mul3A_254 = arith.mulf %sub3A_247, %sub3A_247 : vector<80x16x48xf32>
    %mul3A_255 = arith.mulf %sub3A_250, %sub3A_250 : vector<80x16x48xf32>
    %add3A_256 = arith.addf %mul3A_254, %mul3A_255 : vector<80x16x48xf32>
    %mul3A_257 = arith.mulf %sub3A_253, %sub3A_253 : vector<80x16x48xf32>
    %add3A_258 = arith.addf %add3A_256, %mul3A_257 : vector<80x16x48xf32>
    %dot_general3A_259 = arith.constant dense<0.000000e+00> : vector<80x16x12xf32>
    %dot_general3A_260 = tpu.matmul %add3A_258, %convert_element_type3A_65, %dot_general3A_259 {dimension_numbers = #tpu.dot_dimension_numbers<[2], [0], [0, 1], [1], [0, 0, 0, 1, 1, 1], [], []>, transpose_lhs_hint = false} : vector<80x16x48xf32>, vector<48x12xf32>, vector<80x16x12xf32> -> vector<80x16x12xf32>
    %neg3A = arith.constant 0.000000e+00 : f32
    %neg3A_261 = vector.broadcast %neg3A : f32 to vector<80x16x12xf32>
    %neg3A_262 = arith.subf %neg3A_261, %dot_general3A_260 : vector<80x16x12xf32>
    %get3A_263 = arith.constant 0 : index
    %get3A_264 = arith.constant 0 : index
    %get3A_265 = vector.load %arg8[%get3A_263, %get3A_264] : memref<1x12xf32, #tpu.memory_space<vmem>>, vector<1x12xf32>
    %reshape3A_266 = vector.shape_cast %get3A_265 : vector<1x12xf32> to vector<1x1x12xf32>
    %mul3A_267 = arith.constant 2.500000e-01 : f32
    %mul3A_268 = vector.broadcast %mul3A_267 : f32 to vector<80x16x12xf32>
    %mul3A_269 = arith.mulf %dot_general3A_164, %mul3A_268 : vector<80x16x12xf32>
    %get3A_270 = arith.constant 0 : index
    %get3A_271 = arith.constant 0 : index
    %get3A_272 = vector.load %arg4[%get3A_270, %get3A_271] : memref<80x192xf32, #tpu.memory_space<vmem>>, vector<80x192xf32>
    %reshape3A_273 = vector.shape_cast %get3A_272 : vector<80x192xf32> to vector<80x16x12xf32>
    %add3A_274 = arith.addf %mul3A_269, %reshape3A_273 : vector<80x16x12xf32>
    %mul3A_275 = arith.constant 0.0235702265 : f32
    %mul3A_276 = vector.broadcast %mul3A_275 : f32 to vector<1x1x12xf32>
    %mul3A_277 = arith.mulf %mul3A_276, %reshape3A_266 : vector<1x1x12xf32>
    %mul3A_278 = vector.broadcast %mul3A_277 : vector<1x1x12xf32> to vector<80x16x12xf32>
    %mul3A_279 = arith.mulf %mul3A_278, %neg3A_262 : vector<80x16x12xf32>
    %add3A_280 = arith.addf %add3A_274, %mul3A_279 : vector<80x16x12xf32>
    %mul3A_281 = arith.constant 0.577350259 : f32
    %mul3A_282 = vector.broadcast %mul3A_281 : f32 to vector<80x16x12xf32>
    %mul3A_283 = arith.mulf %mul3A_282, %add3A_280 : vector<80x16x12xf32>
    %reduce_max3A = arith.constant dense<0xFF800000> : vector<80x12xf32>
    %reduce_max3A_284 = vector.multi_reduction <maximumf>, %mul3A_283, %reduce_max3A [1] : vector<80x16x12xf32> to vector<80x12xf32>
    %broadcast_in_dim3A = vector.shape_cast %reduce_max3A_284 : vector<80x12xf32> to vector<80x1x12xf32>
    %sub3A_285 = vector.broadcast %broadcast_in_dim3A : vector<80x1x12xf32> to vector<80x16x12xf32>
    %sub3A_286 = arith.subf %mul3A_283, %sub3A_285 : vector<80x16x12xf32>
    %exp3A = math.exp %sub3A_286 : vector<80x16x12xf32>
    %reduce_sum3A = arith.constant dense<0.000000e+00> : vector<80x12xf32>
    %reduce_sum3A_287 = vector.multi_reduction <add>, %exp3A, %reduce_sum3A [1] : vector<80x16x12xf32> to vector<80x12xf32>
    %broadcast_in_dim3A_288 = vector.shape_cast %reduce_sum3A_287 : vector<80x12xf32> to vector<80x1x12xf32>
    %div3A_289 = vector.broadcast %broadcast_in_dim3A_288 : vector<80x1x12xf32> to vector<80x16x12xf32>
    %div3A_290 = arith.divf %exp3A, %div3A_289 : vector<80x16x12xf32>
    %slice3A_291 = vector.extract_strided_slice %reshape3A {offsets = [0, 0, 192], sizes = [80, 16, 192], strides = [1, 1, 1]} : vector<80x16x832xbf16> to vector<80x16x192xbf16>
    %convert_element_type3A_292 = arith.extf %slice3A_291 : vector<80x16x192xbf16> to vector<80x16x192xf32>
    %dot_general3A_293 = arith.constant dense<0.000000e+00> : vector<80x16x192xf32>
    %dot_general3A_294 = tpu.matmul %div3A_290, %convert_element_type3A_29, %dot_general3A_293 {dimension_numbers = #tpu.dot_dimension_numbers<[2], [1], [0, 1], [0], [0, 0, 0, 1, 1, 0], [], []>, transpose_lhs_hint = false} : vector<80x16x12xf32>, vector<192x12xf32>, vector<80x16x192xf32> -> vector<80x16x192xf32>
    %mul3A_295 = arith.mulf %dot_general3A_294, %convert_element_type3A_292 : vector<80x16x192xf32>
    %reduce_sum3A_296 = arith.constant dense<0.000000e+00> : vector<80x192xf32>
    %reduce_sum3A_297 = vector.multi_reduction <add>, %mul3A_295, %reduce_sum3A_296 [1] : vector<80x16x192xf32> to vector<80x192xf32>
    %get3A_298 = arith.constant 0 : index
    %get3A_299 = arith.constant 0 : index
    %get3A_300 = vector.load %arg5[%get3A_298, %get3A_299] : memref<80x1024xf32, #tpu.memory_space<vmem>>, vector<80x1024xf32>
    %reshape3A_301 = vector.shape_cast %get3A_300 : vector<80x1024xf32> to vector<80x16x64xf32>
    %dot_general3A_302 = arith.constant dense<0.000000e+00> : vector<80x12x64xf32>
    %dot_general3A_303 = tpu.matmul %div3A_290, %reshape3A_301, %dot_general3A_302 {dimension_numbers = #tpu.dot_dimension_numbers<[1], [1], [2], [2], [0, 0, 0, 2, 1, 2], [0], [0]>, transpose_lhs_hint = false} : vector<80x16x12xf32>, vector<80x16x64xf32>, vector<80x12x64xf32> -> vector<80x12x64xf32>
    %reshape3A_304 = vector.shape_cast %dot_general3A_303 : vector<80x12x64xf32> to vector<80x768xf32>
    %slice3A_305 = vector.extract_strided_slice %reshape3A {offsets = [0, 0, 528], sizes = [80, 16, 288], strides = [1, 1, 1]} : vector<80x16x832xbf16> to vector<80x16x288xbf16>
    %convert_element_type3A_306 = arith.extf %slice3A_305 : vector<80x16x288xbf16> to vector<80x16x288xf32>
    %dot_general3A_307 = arith.constant dense<0.000000e+00> : vector<80x16x96xf32>
    %dot_general3A_308 = tpu.matmul %div3A_290, %convert_element_type3A_101, %dot_general3A_307 {dimension_numbers = #tpu.dot_dimension_numbers<[2], [1], [0, 1], [0], [0, 0, 0, 1, 1, 0], [], []>, transpose_lhs_hint = false} : vector<80x16x12xf32>, vector<96x12xf32>, vector<80x16x96xf32> -> vector<80x16x96xf32>
    %slice3A_309 = vector.extract_strided_slice %convert_element_type3A_306 {offsets = [0, 0, 0], sizes = [80, 16, 96], strides = [1, 1, 1]} : vector<80x16x288xf32> to vector<80x16x96xf32>
    %mul3A_310 = arith.mulf %dot_general3A_308, %slice3A_309 : vector<80x16x96xf32>
    %reduce_sum3A_311 = arith.constant dense<0.000000e+00> : vector<80x96xf32>
    %reduce_sum3A_312 = vector.multi_reduction <add>, %mul3A_310, %reduce_sum3A_311 [1] : vector<80x16x96xf32> to vector<80x96xf32>
    %slice3A_313 = vector.extract_strided_slice %convert_element_type3A_306 {offsets = [0, 0, 96], sizes = [80, 16, 96], strides = [1, 1, 1]} : vector<80x16x288xf32> to vector<80x16x96xf32>
    %mul3A_314 = arith.mulf %dot_general3A_308, %slice3A_313 : vector<80x16x96xf32>
    %reduce_sum3A_315 = arith.constant dense<0.000000e+00> : vector<80x96xf32>
    %reduce_sum3A_316 = vector.multi_reduction <add>, %mul3A_314, %reduce_sum3A_315 [1] : vector<80x16x96xf32> to vector<80x96xf32>
    %slice3A_317 = vector.extract_strided_slice %convert_element_type3A_306 {offsets = [0, 0, 192], sizes = [80, 16, 96], strides = [1, 1, 1]} : vector<80x16x288xf32> to vector<80x16x96xf32>
    %mul3A_318 = arith.mulf %dot_general3A_308, %slice3A_317 : vector<80x16x96xf32>
    %reduce_sum3A_319 = arith.constant dense<0.000000e+00> : vector<80x96xf32>
    %reduce_sum3A_320 = vector.multi_reduction <add>, %mul3A_318, %reduce_sum3A_319 [1] : vector<80x16x96xf32> to vector<80x96xf32>
    %slice3A_321 = vector.extract_strided_slice %get3A_4 {offsets = [0, 3], sizes = [80, 1], strides = [1, 1]} : vector<80x16xf32> to vector<80x1xf32>
    %squeeze3A_322 = vector.shape_cast %slice3A_321 : vector<80x1xf32> to vector<80xf32>
    %reshape3A_323 = vector.shape_cast %squeeze3A_322 : vector<80xf32> to vector<80x1xf32>
    %sub3A_324 = vector.broadcast %reshape3A_323 : vector<80x1xf32> to vector<80x96xf32>
    %sub3A_325 = arith.subf %reduce_sum3A_312, %sub3A_324 : vector<80x96xf32>
    %slice3A_326 = vector.extract_strided_slice %get3A_4 {offsets = [0, 7], sizes = [80, 1], strides = [1, 1]} : vector<80x16xf32> to vector<80x1xf32>
    %squeeze3A_327 = vector.shape_cast %slice3A_326 : vector<80x1xf32> to vector<80xf32>
    %reshape3A_328 = vector.shape_cast %squeeze3A_327 : vector<80xf32> to vector<80x1xf32>
    %sub3A_329 = vector.broadcast %reshape3A_328 : vector<80x1xf32> to vector<80x96xf32>
    %sub3A_330 = arith.subf %reduce_sum3A_316, %sub3A_329 : vector<80x96xf32>
    %slice3A_331 = vector.extract_strided_slice %get3A_4 {offsets = [0, 11], sizes = [80, 1], strides = [1, 1]} : vector<80x16xf32> to vector<80x1xf32>
    %squeeze3A_332 = vector.shape_cast %slice3A_331 : vector<80x1xf32> to vector<80xf32>
    %reshape3A_333 = vector.shape_cast %squeeze3A_332 : vector<80xf32> to vector<80x1xf32>
    %sub3A_334 = vector.broadcast %reshape3A_333 : vector<80x1xf32> to vector<80x96xf32>
    %sub3A_335 = arith.subf %reduce_sum3A_320, %sub3A_334 : vector<80x96xf32>
    %slice3A_336 = vector.extract_strided_slice %get3A_4 {offsets = [0, 0], sizes = [80, 1], strides = [1, 1]} : vector<80x16xf32> to vector<80x1xf32>
    %squeeze3A_337 = vector.shape_cast %slice3A_336 : vector<80x1xf32> to vector<80xf32>
    %reshape3A_338 = vector.shape_cast %squeeze3A_337 : vector<80xf32> to vector<80x1xf32>
    %mul3A_339 = vector.broadcast %reshape3A_338 : vector<80x1xf32> to vector<80x96xf32>
    %mul3A_340 = arith.mulf %sub3A_325, %mul3A_339 : vector<80x96xf32>
    %slice3A_341 = vector.extract_strided_slice %get3A_4 {offsets = [0, 4], sizes = [80, 1], strides = [1, 1]} : vector<80x16xf32> to vector<80x1xf32>
    %squeeze3A_342 = vector.shape_cast %slice3A_341 : vector<80x1xf32> to vector<80xf32>
    %reshape3A_343 = vector.shape_cast %squeeze3A_342 : vector<80xf32> to vector<80x1xf32>
    %mul3A_344 = vector.broadcast %reshape3A_343 : vector<80x1xf32> to vector<80x96xf32>
    %mul3A_345 = arith.mulf %sub3A_330, %mul3A_344 : vector<80x96xf32>
    %add3A_346 = arith.addf %mul3A_340, %mul3A_345 : vector<80x96xf32>
    %slice3A_347 = vector.extract_strided_slice %get3A_4 {offsets = [0, 8], sizes = [80, 1], strides = [1, 1]} : vector<80x16xf32> to vector<80x1xf32>
    %squeeze3A_348 = vector.shape_cast %slice3A_347 : vector<80x1xf32> to vector<80xf32>
    %reshape3A_349 = vector.shape_cast %squeeze3A_348 : vector<80xf32> to vector<80x1xf32>
    %mul3A_350 = vector.broadcast %reshape3A_349 : vector<80x1xf32> to vector<80x96xf32>
    %mul3A_351 = arith.mulf %sub3A_335, %mul3A_350 : vector<80x96xf32>
    %add3A_352 = arith.addf %add3A_346, %mul3A_351 : vector<80x96xf32>
    %slice3A_353 = vector.extract_strided_slice %get3A_4 {offsets = [0, 1], sizes = [80, 1], strides = [1, 1]} : vector<80x16xf32> to vector<80x1xf32>
    %squeeze3A_354 = vector.shape_cast %slice3A_353 : vector<80x1xf32> to vector<80xf32>
    %reshape3A_355 = vector.shape_cast %squeeze3A_354 : vector<80xf32> to vector<80x1xf32>
    %mul3A_356 = vector.broadcast %reshape3A_355 : vector<80x1xf32> to vector<80x96xf32>
    %mul3A_357 = arith.mulf %sub3A_325, %mul3A_356 : vector<80x96xf32>
    %slice3A_358 = vector.extract_strided_slice %get3A_4 {offsets = [0, 5], sizes = [80, 1], strides = [1, 1]} : vector<80x16xf32> to vector<80x1xf32>
    %squeeze3A_359 = vector.shape_cast %slice3A_358 : vector<80x1xf32> to vector<80xf32>
    %reshape3A_360 = vector.shape_cast %squeeze3A_359 : vector<80xf32> to vector<80x1xf32>
    %mul3A_361 = vector.broadcast %reshape3A_360 : vector<80x1xf32> to vector<80x96xf32>
    %mul3A_362 = arith.mulf %sub3A_330, %mul3A_361 : vector<80x96xf32>
    %add3A_363 = arith.addf %mul3A_357, %mul3A_362 : vector<80x96xf32>
    %slice3A_364 = vector.extract_strided_slice %get3A_4 {offsets = [0, 9], sizes = [80, 1], strides = [1, 1]} : vector<80x16xf32> to vector<80x1xf32>
    %squeeze3A_365 = vector.shape_cast %slice3A_364 : vector<80x1xf32> to vector<80xf32>
    %reshape3A_366 = vector.shape_cast %squeeze3A_365 : vector<80xf32> to vector<80x1xf32>
    %mul3A_367 = vector.broadcast %reshape3A_366 : vector<80x1xf32> to vector<80x96xf32>
    %mul3A_368 = arith.mulf %sub3A_335, %mul3A_367 : vector<80x96xf32>
    %add3A_369 = arith.addf %add3A_363, %mul3A_368 : vector<80x96xf32>
    %slice3A_370 = vector.extract_strided_slice %get3A_4 {offsets = [0, 2], sizes = [80, 1], strides = [1, 1]} : vector<80x16xf32> to vector<80x1xf32>
    %squeeze3A_371 = vector.shape_cast %slice3A_370 : vector<80x1xf32> to vector<80xf32>
    %reshape3A_372 = vector.shape_cast %squeeze3A_371 : vector<80xf32> to vector<80x1xf32>
    %mul3A_373 = vector.broadcast %reshape3A_372 : vector<80x1xf32> to vector<80x96xf32>
    %mul3A_374 = arith.mulf %sub3A_325, %mul3A_373 : vector<80x96xf32>
    %slice3A_375 = vector.extract_strided_slice %get3A_4 {offsets = [0, 6], sizes = [80, 1], strides = [1, 1]} : vector<80x16xf32> to vector<80x1xf32>
    %squeeze3A_376 = vector.shape_cast %slice3A_375 : vector<80x1xf32> to vector<80xf32>
    %reshape3A_377 = vector.shape_cast %squeeze3A_376 : vector<80xf32> to vector<80x1xf32>
    %mul3A_378 = vector.broadcast %reshape3A_377 : vector<80x1xf32> to vector<80x96xf32>
    %mul3A_379 = arith.mulf %sub3A_330, %mul3A_378 : vector<80x96xf32>
    %add3A_380 = arith.addf %mul3A_374, %mul3A_379 : vector<80x96xf32>
    %slice3A_381 = vector.extract_strided_slice %get3A_4 {offsets = [0, 10], sizes = [80, 1], strides = [1, 1]} : vector<80x16xf32> to vector<80x1xf32>
    %squeeze3A_382 = vector.shape_cast %slice3A_381 : vector<80x1xf32> to vector<80xf32>
    %reshape3A_383 = vector.shape_cast %squeeze3A_382 : vector<80xf32> to vector<80x1xf32>
    %mul3A_384 = vector.broadcast %reshape3A_383 : vector<80x1xf32> to vector<80x96xf32>
    %mul3A_385 = arith.mulf %sub3A_335, %mul3A_384 : vector<80x96xf32>
    %add3A_386 = arith.addf %add3A_380, %mul3A_385 : vector<80x96xf32>
    %mul3A_387 = arith.mulf %add3A_352, %add3A_352 : vector<80x96xf32>
    %mul3A_388 = arith.mulf %add3A_369, %add3A_369 : vector<80x96xf32>
    %add3A_389 = arith.addf %mul3A_387, %mul3A_388 : vector<80x96xf32>
    %mul3A_390 = arith.mulf %add3A_386, %add3A_386 : vector<80x96xf32>
    %add3A_391 = arith.addf %add3A_389, %mul3A_390 : vector<80x96xf32>
    %add3A_392 = arith.constant 9.99999996E-13 : f32
    %add3A_393 = vector.broadcast %add3A_392 : f32 to vector<80x96xf32>
    %add3A_394 = arith.addf %add3A_391, %add3A_393 : vector<80x96xf32>
    %sqrt3A = math.sqrt %add3A_394 : vector<80x96xf32>
    %concatenate3A = tpu.concatenate %reduce_sum3A_297, %reshape3A_304, %add3A_352, %add3A_369, %add3A_386, %sqrt3A in 1 : vector<80x192xf32>, vector<80x768xf32>, vector<80x96xf32>, vector<80x96xf32>, vector<80x96xf32>, vector<80x96xf32> -> vector<80x1344xf32>
    %get3A_395 = arith.constant 0 : index
    %get3A_396 = arith.constant 0 : index
    %get3A_397 = vector.load %arg9[%get3A_395, %get3A_396] : memref<128x1344xf32, #tpu.memory_space<vmem>>, vector<128x1344xf32>
    %dot_general3A_398 = arith.constant dense<0.000000e+00> : vector<80x128xf32>
    %dot_general3A_399 = tpu.matmul %concatenate3A, %get3A_397, %dot_general3A_398 {dimension_numbers = #tpu.dot_dimension_numbers<[1], [1], [0], [0], [0, 0, 1, 0], [], []>, transpose_lhs_hint = false} : vector<80x1344xf32>, vector<128x1344xf32>, vector<80x128xf32> -> vector<80x128xf32>
    %get3A_400 = arith.constant 0 : index
    %get3A_401 = arith.constant 0 : index
    %get3A_402 = vector.load %arg10[%get3A_400, %get3A_401] : memref<1x128xf32, #tpu.memory_space<vmem>>, vector<1x128xf32>
    %add3A_403 = vector.broadcast %get3A_402 : vector<1x128xf32> to vector<80x128xf32>
    %add3A_404 = arith.addf %dot_general3A_399, %add3A_403 : vector<80x128xf32>
    %get3A_405 = arith.constant 0 : index
    %get3A_406 = arith.constant 0 : index
    %get3A_407 = vector.load %arg7[%get3A_405, %get3A_406] : memref<80x128xf32, #tpu.memory_space<vmem>>, vector<80x128xf32>
    %mul3A_408 = arith.constant 1.41421354 : f32
    %mul3A_409 = vector.broadcast %mul3A_408 : f32 to vector<80x128xf32>
    %mul3A_410 = arith.mulf %mul3A_409, %get3A_407 : vector<80x128xf32>
    %add3A_411 = arith.addf %mul3A_410, %add3A_404 : vector<80x128xf32>
    %reduce_sum3A_412 = arith.constant dense<0.000000e+00> : vector<80xf32>
    %reduce_sum3A_413 = vector.multi_reduction <add>, %add3A_411, %reduce_sum3A_412 [1] : vector<80x128xf32> to vector<80xf32>
    %broadcast_in_dim3A_414 = vector.shape_cast %reduce_sum3A_413 : vector<80xf32> to vector<80x1xf32>
    %div3A_415 = arith.constant 1.280000e+02 : f32
    %div3A_416 = vector.broadcast %div3A_415 : f32 to vector<80x1xf32>
    %div3A_417 = arith.divf %broadcast_in_dim3A_414, %div3A_416 : vector<80x1xf32>
    %sub3A_418 = vector.broadcast %div3A_417 : vector<80x1xf32> to vector<80x128xf32>
    %sub3A_419 = arith.subf %add3A_411, %sub3A_418 : vector<80x128xf32>
    %square3A = arith.mulf %sub3A_419, %sub3A_419 : vector<80x128xf32>
    %reduce_sum3A_420 = arith.constant dense<0.000000e+00> : vector<80xf32>
    %reduce_sum3A_421 = vector.multi_reduction <add>, %square3A, %reduce_sum3A_420 [1] : vector<80x128xf32> to vector<80xf32>
    %broadcast_in_dim3A_422 = vector.shape_cast %reduce_sum3A_421 : vector<80xf32> to vector<80x1xf32>
    %div3A_423 = arith.constant 1.280000e+02 : f32
    %div3A_424 = vector.broadcast %div3A_423 : f32 to vector<80x1xf32>
    %div3A_425 = arith.divf %broadcast_in_dim3A_422, %div3A_424 : vector<80x1xf32>
    %get3A_426 = arith.constant 0 : index
    %get3A_427 = arith.constant 0 : index
    %get3A_428 = vector.load %arg11[%get3A_426, %get3A_427] : memref<1x128xf32, #tpu.memory_space<vmem>>, vector<1x128xf32>
    %sub3A_429 = vector.broadcast %div3A_417 : vector<80x1xf32> to vector<80x128xf32>
    %sub3A_430 = arith.subf %add3A_411, %sub3A_429 : vector<80x128xf32>
    %mul3A_431 = vector.broadcast %get3A_428 : vector<1x128xf32> to vector<80x128xf32>
    %mul3A_432 = arith.mulf %mul3A_431, %sub3A_430 : vector<80x128xf32>
    %add3A_433 = arith.constant 9.99999974E-6 : f32
    %add3A_434 = vector.broadcast %add3A_433 : f32 to vector<80x1xf32>
    %add3A_435 = arith.addf %div3A_425, %add3A_434 : vector<80x1xf32>
    %sqrt3A_436 = math.sqrt %add3A_435 : vector<80x1xf32>
    %div3A_437 = vector.broadcast %sqrt3A_436 : vector<80x1xf32> to vector<80x128xf32>
    %div3A_438 = arith.divf %mul3A_432, %div3A_437 : vector<80x128xf32>
    %get3A_439 = arith.constant 0 : index
    %get3A_440 = arith.constant 0 : index
    %get3A_441 = vector.load %arg12[%get3A_439, %get3A_440] : memref<1x128xf32, #tpu.memory_space<vmem>>, vector<1x128xf32>
    %add3A_442 = vector.broadcast %get3A_441 : vector<1x128xf32> to vector<80x128xf32>
    %add3A_443 = arith.addf %div3A_438, %add3A_442 : vector<80x128xf32>
    %swap3A = arith.constant 0 : index
    %swap3A_444 = arith.constant 0 : index
    %swap3A_445 = vector.load %arg13[%swap3A, %swap3A_444] : memref<80x128xf32, #tpu.memory_space<vmem>>, vector<80x128xf32>
    tpu.vector_store %arg13[%swap3A, %swap3A_444], %add3A_443 {strides = array<i32>} : memref<80x128xf32, #tpu.memory_space<vmem>>, vector<80x128xf32>,
    return
  }
  func.func @transform_0(%arg0: i32) -> (i32, i32) {
    %c0_i32 = arith.constant 0 : i32
    %c0_i32_0 = arith.constant 0 : i32
    return %arg0, %c0_i32 : i32, i32
  }
  func.func @transform_1(%arg0: i32) -> (i32, i32) {
    %c0_i32 = arith.constant 0 : i32
    %c0_i32_0 = arith.constant 0 : i32
    return %arg0, %c0_i32 : i32, i32
  }
  func.func @transform_2(%arg0: i32) -> (i32, i32) {
    %c0_i32 = arith.constant 0 : i32
    %c0_i32_0 = arith.constant 0 : i32
    return %arg0, %c0_i32 : i32, i32
  }
  func.func @transform_3(%arg0: i32) -> (i32, i32) {
    %c0_i32 = arith.constant 0 : i32
    %c0_i32_0 = arith.constant 0 : i32
    return %arg0, %c0_i32 : i32, i32
  }
  func.func @transform_4(%arg0: i32) -> (i32, i32) {
    %c0_i32 = arith.constant 0 : i32
    %c0_i32_0 = arith.constant 0 : i32
    return %arg0, %c0_i32 : i32, i32
  }
  func.func @transform_5(%arg0: i32) -> (i32, i32) {
    %c0_i32 = arith.constant 0 : i32
    %c0_i32_0 = arith.constant 0 : i32
    return %arg0, %c0_i32 : i32, i32
  }
  func.func @transform_6(%arg0: i32) -> (i32, i32) {
    %c0_i32 = arith.constant 0 : i32
    %c0_i32_0 = arith.constant 0 : i32
    return %arg0, %c0_i32 : i32, i32
  }
  func.func @transform_7(%arg0: i32) -> (i32, i32) {
    %c0_i32 = arith.constant 0 : i32
    %c0_i32_0 = arith.constant 0 : i32
    %c0_i32_1 = arith.constant 0 : i32
    return %c0_i32, %c0_i32_0 : i32, i32
  }
  func.func @transform_8(%arg0: i32) -> (i32, i32) {
    %c0_i32 = arith.constant 0 : i32
    %c0_i32_0 = arith.constant 0 : i32
    %c0_i32_1 = arith.constant 0 : i32
    return %c0_i32, %c0_i32_0 : i32, i32
  }
  func.func @transform_9(%arg0: i32) -> (i32, i32) {
    %c0_i32 = arith.constant 0 : i32
    %c0_i32_0 = arith.constant 0 : i32
    %c0_i32_1 = arith.constant 0 : i32
    return %c0_i32, %c0_i32_0 : i32, i32
  }
  func.func @transform_10(%arg0: i32) -> (i32, i32) {
    %c0_i32 = arith.constant 0 : i32
    %c0_i32_0 = arith.constant 0 : i32
    %c0_i32_1 = arith.constant 0 : i32
    return %c0_i32, %c0_i32_0 : i32, i32
  }
  func.func @transform_11(%arg0: i32) -> (i32, i32) {
    %c0_i32 = arith.constant 0 : i32
    %c0_i32_0 = arith.constant 0 : i32
    %c0_i32_1 = arith.constant 0 : i32
    return %c0_i32, %c0_i32_0 : i32, i32
  }
  func.func @transform_12(%arg0: i32) -> (i32, i32) {
    %c0_i32 = arith.constant 0 : i32
    %c0_i32_0 = arith.constant 0 : i32
    return %arg0, %c0_i32 : i32, i32
  }
}

</mosaic_0001>

<sc_bundles>
// kernel: gather_offload_async_start
scs
__scs_entry_jumppad:
0x0: {  	(pc) =	sbr.rel $0x88, $3  }
0x1: {  	(tag) =	ssettag $0x0;
	lr =	simm.s32 $0x1  }
0x2: {  	[smem:$0x3F90] =	sst lr;
	_ =	strace $0xD0000000  }
0x3: {  	_ = 	snop  }
0x4: {  	_ = 	snop  }
0x5: {  	_ = 	snop  }
0x6: {  	_ = 	snop  }
0x7: {  	_ = 	snop  }
__scs_overlays_trampoline_lowered:
0x8: {  	[smem:$0x3F9F] =	sst s0  }
0x9: {  	[smem:$0x3FA0] =	sst s1  }
0xa: {  	[smem:$0x3FA1] =	sst s2  }
0xb: {  	[smem:$0x3FA2] =	sst s3  }
0xc: {  	[smem:$0x3FA3] =	sst s4  }
0xd: {  	[smem:$0x3FA4] =	sst s5  }
0xe: {  	[smem:$0x3FA5] =	sst s6  }
0xf: {  	[smem:$0x3FA6] =	sst s7  }
0x10: {  	[smem:$0x3FA7] =	sst s8  }
0x11: {  	[smem:$0x3FA8] =	sst s9;
	s0 =	simm.s32 @!p0 $0x0  }
0x12: {  	s1 =	sld [smem:$0x3F8E];
	s0 =	simm.s32 @p0 $0x1  }
0x13: {  	[smem:$0x3FA9] =	sst s0;
	s0 =	simm.s32 @!p1 $0x0  }
0x14: {  	s2 =	sld [smem:$0x3F8D];
	s0 =	simm.s32 @p1 $0x1  }
0x15: {  	[smem:$0x3FAA] =	sst s0;
	s0 =	simm.s32 @!p2 $0x0  }
0x16: {  	s3 =	sld [smem:$0x3FDB];
	s0 =	simm.s32 @p2 $0x1  }
0x17: {  	s4 =	simm.s32 $0x1BF5;
	[smem:$0x3FAC] =	sst s0  }
0x18: {  	s0 =	sld [smem:$0x3F8F];
	_ =	swait.ge [sflag:s4], $0x0  }
0x19: {  	s7 =	sld [smem:$0x3F90]  }
0x1a: {  	s8 =	sadd.s32 $0xFFFFE003, lr  }
0x1b: {  	s9 =	sadd.s32 $0xFFFFFEF7, lr;
	s5 =	simm.s32 $0xFFFFFFFF;
	p2 =	slt.u32 s8, $0xFFFFF086  }
0x1c: {  	p1 =	slt.u32 s9, $0xF7A;
	s5 =	simm.s32 @!p2 $0x0  }
0x1d: {  	s5 =	simm.s32 @p1 $0x1;
	p0 =	seq.s32 s7, s2  }
0x1e: {  	s7 =	smul.u32 @!p0 $0xF7A, s2;
	p2 =	seq.s32 @!p0 s5, $0x0  }
0x1f: {  	s9 =	smul.u32 $0xF7A, s1;
	s8 =	simm.s32 @!p0 $0x1BF5;
	p2 =	por !p2, p0  }
0x20: {  	[sflag:s8] =	ssyncset.s32 @!p0 $0xFFFFF086;
	s6 =	sadd.s32 @!p0 s3, s7;
	s7 =	simm.s32 @!p0 $0x108  }
0x21: {  	s3 =	sadd.s32 s3, s9;
	s6 =	sadd.s32 @!p0 $0x88, s6;
	s7 =	simm.s32 @p2 $0x1082  }
0x22: {  	[simem:s7], [sflag:s8] =	dma.local @!p0 [hbm:s6], $0xF7A  }
0x23: {  	s9 =	sor.u32 $0xD0000000, s2;
	s6 =	simm.s32 $0x108;
	_ =	swait.ge @!p0 [sflag:s8], $0x0  }
0x24: {  	s3 =	sadd.s32 $0x88, s3;
	s6 =	simm.s32 @!p1 $0x1082;
	[sflag:s4] =	ssyncset.s32 $0xFFFFF086  }
0x25: {  	[simem:s6], [sflag:s4] =	dma.local [hbm:s3], $0xF7A  }
0x26: {  	[smem:$0x3F90] =	sst s1;
	(tag) =	ssettag s2;
	_ =	strace s9  }
0x27: {  	s1 =	sld [smem:$0x3FA0]  }
0x28: {  	s2 =	sld [smem:$0x3FA1]  }
0x29: {  	s4 =	sld [smem:$0x3FA3]  }
0x2a: {  	p0 =	seq.s32 s5, $0x0;
	s5 =	sld [smem:$0x3FA4]  }
0x2b: {  	s6 =	sld [smem:$0x3FA5]  }
0x2c: {  	s7 =	sld [smem:$0x3FA6]  }
0x2d: {  	s3 =	simm.s32 $0x108;
	s8 =	sld [smem:$0x3FA7]  }
0x2e: {  	s3 =	simm.s32 @!p0 $0x1082;
	s9 =	sld [smem:$0x3FA8]  }
0x2f: {  	lr =	sadd.s32 s0, s3;
	s0 =	sld [smem:$0x3F9F]  }
0x30: {  	s3 =	sld [smem:$0x3FA2]  }
0x31: {  	[smem:$0x3FAB] =	sst s10  }
0x32: {  	s10 =	sld [smem:$0x3FA9];
	_ =	sdelay $0x3  }
0x33: {  	p0 =	seq.s32 s10, $0x1;
	s10 =	sld [smem:$0x3FAB];
	_ =	sdelay $0x3  }
0x34: {  	[smem:$0x3FAB] =	sst s10  }
0x35: {  	s10 =	sld [smem:$0x3FAA];
	_ =	sdelay $0x3  }
0x36: {  	p1 =	seq.s32 s10, $0x1;
	s10 =	sld [smem:$0x3FAB];
	_ =	sdelay $0x3  }
0x37: {  	[smem:$0x3FAB] =	sst s10  }
0x38: {  	s10 =	sld [smem:$0x3FAC]  }
0x39: {  	_ = 	snop;
	(pc) =	sbr.ind lr, $3  }
0x3a: {  	_ = 	snop  }
0x3b: {  	_ = 	snop  }
0x3c: {  	p2 =	seq.s32 s10, $0x1;
	s10 =	sld [smem:$0x3FAB]  }
0x3d: {  	_ =	shalt  }
0x3e: {  	_ =	shalt  }
0x3f: {  	_ =	shalt  }
0x40: {  	_ =	shalt  }
0x41: {  	_ =	shalt  }
0x42: {  	_ =	shalt  }
0x43: {  	_ =	shalt  }
0x44: {  	_ =	shalt  }
0x45: {  	_ =	shalt  }
0x46: {  	_ =	shalt  }
0x47: {  	_ =	shalt  }
0x48: {  	_ =	shalt  }
0x49: {  	_ =	shalt  }
0x4a: {  	_ =	shalt  }
0x4b: {  	_ =	shalt  }
0x4c: {  	_ =	shalt  }
0x4d: {  	_ =	shalt  }
0x4e: {  	_ =	shalt  }
0x4f: {  	_ =	shalt  }
0x50: {  	_ =	shalt  }
0x51: {  	_ =	shalt  }
0x52: {  	_ =	shalt  }
0x53: {  	_ =	shalt  }
0x54: {  	_ =	shalt  }
0x55: {  	_ =	shalt  }
0x56: {  	_ =	shalt  }
0x57: {  	_ =	shalt  }
0x58: {  	_ =	shalt  }
0x59: {  	_ =	shalt  }
0x5a: {  	_ =	shalt  }
0x5b: {  	_ =	shalt  }
0x5c: {  	_ =	shalt  }
0x5d: {  	_ =	shalt  }
0x5e: {  	_ =	shalt  }
0x5f: {  	_ =	shalt  }
0x60: {  	_ =	shalt  }
0x61: {  	_ =	shalt  }
0x62: {  	_ =	shalt  }
0x63: {  	_ =	shalt  }
0x64: {  	_ =	shalt  }
0x65: {  	_ =	shalt  }
0x66: {  	_ =	shalt  }
0x67: {  	_ =	shalt  }
0x68: {  	_ =	shalt  }
0x69: {  	_ =	shalt  }
0x6a: {  	_ =	shalt  }
0x6b: {  	_ =	shalt  }
0x6c: {  	_ =	shalt  }
0x6d: {  	_ =	shalt  }
0x6e: {  	_ =	shalt  }
0x6f: {  	_ =	shalt  }
0x70: {  	_ =	shalt  }
0x71: {  	_ =	shalt  }
0x72: {  	_ =	shalt  }
0x73: {  	_ =	shalt  }
0x74: {  	_ =	shalt  }
0x75: {  	_ =	shalt  }
0x76: {  	_ =	shalt  }
0x77: {  	_ =	shalt  }
0x78: {  	_ =	shalt  }
0x79: {  	_ =	shalt  }
0x7a: {  	_ =	shalt  }
0x7b: {  	_ =	shalt  }
0x7c: {  	_ =	shalt  }
0x7d: {  	_ =	shalt  }
0x7e: {  	_ =	shalt  }
0x7f: {  	_ =	shalt  }
0x80: {  	_ =	shalt  }
0x81: {  	_ =	shalt  }
0x82: {  	_ =	shalt  }
0x83: {  	_ =	shalt  }
0x84: {  	_ =	shalt  }
0x85: {  	_ =	shalt  }
0x86: {  	_ =	shalt  }
0x87: {  	_ =	shalt  }
.Lfunc_end0:
.L_simem_size_0:
called_computation_lowered:
.L_overlay_start_0:
0x88: {  	s2 =	sld [smem:$0x3FD9]  }
0x89: {  	s3 =	sld [smem:$0x3FFE];
	_ =	sdelay $0x1  }
0x8a: {  	s1 =	srdreg.scid  }
0x8b: {  	s0 =	sand.u32 $0x1, s1  }
0x8c: {  	s17 =	sshll.u32 s0, $0xA;
	s2 =	sadd.s32 s3, s2  }
0x8d: {  	s2 =	sadd.s32 s2, s17  }
0x8e: {  	[smem:$0x3FB7] =	sst s2  }
0x8f: {  	_ = 	snop  }
0x90: {  	s2 =	sld [smem:$0x3FBD];
	(tm) =	ssettm $0x1  }
0x91: {  	s18 =	sld [smem:$0x3FFB];
	_ =	sdelay $0x3  }
0x92: {  	_ =	strace s18  }
0x93: {  	s3 =	sld [smem:$0x3FFC];
	_ =	sdelay $0x3  }
0x94: {  	_ =	strace s3  }
0x95: {  	s3 =	sld [smem:$0x3FFD];
	_ =	sdelay $0x3  }
0x96: {  	_ =	strace s3  }
0x97: {  	_ =	strace $0x8FFFFFFF  }
0x98: {  	s19 =	sld [smem:$0x3FDB];
	_ =	sdelay $0x1  }
0x99: {  	s4 =	simm.s32 $_scs_section_size  }
0x9a: {  	s5 =	simm.s32 $_size__tile_overlayer_lowered;
	s6 =	simm.s32 $_tile_overlayer_lowered  }
0x9b: {  	s22 =	simm.s32 $0x1BFF;
	s21 =	sshll.u32 s6, $0x1;
	s3 =	sadd.s32 s4, s19  }
0x9c: {  	s7 =	simm.s32 $0x0;
	s20 =	sshll.u32 s5, $0x1;
	s5 =	sadd.s32 s21, s3  }
0x9d: {  	[timem:s7], [sflag:s22] =	dma.local [hbm:s5], s20  }
0x9e: {  	_ =	swait.ge [sflag:s22], s20  }
0x9f: {  	s4 =	ssub.s32 $0x0, s20;
	[sflag:s22] =	ssyncset.done $0x0  }
0xa0: {  	[sflag:s22] =	ssyncadd.s32 s4;
	_ =	sdelay $0x1  }
0xa1: {  	s23 =	simm.s32 $0x1B8B  }
0xa2: {  	_ =	swait.ge [sflag:s23], $0x1  }
0xa3: {  	[sflag:s23] =	ssyncset.done $0x0  }
0xa4: {  	s25 =	simm.s32 $0x1B8E;
	s24 =	sld [smem:$0x3FFE];
	[sflag:s23] =	ssyncadd.s32 $0xFFFFFFFF  }
0xa5: {  	s26 =	simm.s32 $execute0_lowered;
	[smem:$0x3FD2] =	sst s25  }
0xa6: {  	s5 =	sshll.u32 s26, $0x1;
	_ =	strace $0x80000046;
	[dreg:$0x1] =	wrdreg $0xFFFFFFFF  }
0xa7: {  	s28 =	simm.s32 $_size_execute0_lowered;
	s3 =	sadd.s32 s3, s5;
	[dreg:$0x0] =	wrdreg $0x0  }
0xa8: {  	s5 =	sshll.u32 s28, $0x1;
	[dreg:$0x2] =	wrdreg s3  }
0xa9: {  	[dreg:$0x3] =	wrdreg s5  }
0xaa: {  	[dreg:$0x4] =	wrdreg $0xC0  }
0xab: {  	_ =	task [dreg:s7], $0x5FFFF  }
0xac: {  	[dreg:$0x1] =	wrdreg $0xFFFFFFFF  }
0xad: {  	[dreg:$0x0] =	wrdreg $0x60  }
0xae: {  	[dreg:$0x2] =	wrdreg s2  }
0xaf: {  	[dreg:$0x3] =	wrdreg s24  }
0xb0: {  	[dreg:$0x4] =	wrdreg $0x9  }
0xb1: {  	_ =	task.clear_ibuf [dreg:s7], $0x5FFFF;
	_ =	strace $0x90000046  }
0xb2: {  	s29 =	simm.s32 $0x9;
	_ =	strace $0x80000048  }
0xb3: {  	_ =	swait.ge [sflag:s29], $0x1  }
0xb4: {  	[sflag:s29] =	ssyncadd.s32 $0xFFFFFFFF  }
0xb5: {  	_ =	strace $0x90000048  }
0xb6: {  	_ =	sfence  }
0xb7: {  	s30 =	sld [smem:$0x0];
	_ =	sdelay $0x2  }
0xb8: {  	s31 =	sshll.u32 s1, $0xD;
	s1 =	sshrl.u32 s1, $0x2  }
0xb9: {  	s3 =	sand.u32 $0x4000, s31;
	s1 =	sadd.s32 s1, s30  }
0xba: {  	s0 =	sor.u32 s3, s0;
	s1 =	sshll.u32 s1, $0x11  }
0xbb: {  	s0 =	sor.u32 s1, s0  }
0xbc: {  	s0 =	sadd.s32 $0x8F2B, s0  }
0xbd: {  	[sflag:s0] =	ssyncadd.remote.s32 $0x1  }
0xbe: {  	_ =	sfence.sel $0xFFFF  }
0xbf: {  	[dreg:$0x0] =	wrdreg $0xFFFFFFFF;
	(pc) =	sbr.abs _section_cstart, $3  }
0xc0: {  	[dreg:$0x1] =	wrdreg $0xFFFFFFFF  }
0xc1: {  	_ =	task.clear_ibuf [dreg:s7], $0x2FFFF;
	_ =	strace $0x9FFFFFFF  }
0xc2: {  	(tm) =	ssettm $0x7FFFFFFF  }
0xc3: {  	_ =	shalt  }
tec
execute0_lowered:
.L_overlay_start_1:
0x0: {  	(tag) =	ssettag $0x1  }
0x1: {  	s0 =	srdreg.scid  }
0x2: {  	s1 =	sshll.u32 s0, $0x4  }
0x3: {  	s0 =	stileid.u32;
	s1 =	sand.u32 $0x10, s1  }
0x4: {  	s1 =	sor.u32 s0, s1  }
0x5: {  	s9 =	rddreg [dreg:$0x1];
	s6 =	simm.s32 $0x1;
	s2 =	smin.u32 s1, $0xA  }
0x6: {  	p0 =	slt.u32 s1, $0xA;
	s3 =	sadd.s32 s1, s2;
	s1 =	simm.s32 $0x40  }
0x7: {  	s7 =	simm.s32 $0x2;
	s3 =	sshll.u32 s3, $0x5;
	s1 =	simm.s32 @!p0 $0x20  }
0x8: {  	s10 =	simm.s32 $0x3;
	s13 =	simm.s32 $0x0;
	s4 =	sadd.s32 s1, s3  }
0x9: {  	s12 =	simm.s32 $0x0;
	s5 =	sadd.s32 $0x13AE00, s9;
	s4 =	smin.u32 s4, $0x540  }
.Ltmp0:
0xa: {  	s2 =	rddreg [dreg:$0x0];
	s8 =	ssub.s32 s4, s3;
	(pc) =	sbr.rel .LBB2_1-.Ltmp0, $4  }
0xb: {  	s1 =	rddreg [dreg:$0x2];
	_ =	strace $0x80000047;
	p0 =	sgt.s32 s8, $0x0  }
0xc: {  	s9 =	sadd.s32 $0x13B000, s9;
	[sflag:s6] =	ssyncpa.u1 $0x0;
	s8 =	simm.s32 @!p0 $0x0  }
0xd: {  	s11 =	smov.u32 s3;
	[sflag:s7] =	ssyncpa.u1 $0x0;
	s8 =	sshrl.u32 s8, $0x5  }
0xe: {  	vm0 =	vmmov $0xff;
	vm1 =	vcmask $0x3F20;
	[sflag:s10] =	ssyncpa.u1 $0x0;
	p0 =	por $0x0, $0x0;
	s10 =	sadd.s32 $0x1, s8  }
.LBB2_6:
0xf: {  	[hbm:s17] =	stream.linear.scatter [tilespmem:s14], [sflag:$0x3], $0x400, $0x38;
	[tilespmem:$0x2040] =	vst v63  }
.LBB2_7:
0x10: {  	s13 =	sadd.s32 $0x20, s11  }
0x11: {  	s15 =	smov.u32 s3;
	p2 =	slt.s32 s13, s4  }
0x12: {  	s15 =	smov.u32 @p2 s13;
	p2 =	sne.s32 s12, s10  }
.Ltmp1:
0x13: {  	p1 =	slt.u32 s12, $0x2;
	(pc) =	sbr.rel @!p2 .LBB2_8-.Ltmp1, $4  }
0x14: {  	s14 =	simm.s32 @!p1 $0x3  }
0x15: {  	s16 =	sadd.s32 $0x1, s12;
	_ =	swait.ge @!p1 [sflag:s14], $0x1000  }
0x16: {  	p0 =	por !p0, !p0;
	s13 =	smov.u32 s11;
	[sflag:s14] =	ssyncset.done @!p1 $0x0  }
0x17: {  	s12 =	smov.u32 s16;
	s11 =	smov.u32 s15;
	[sflag:s14] =	ssyncadd.s32 @!p1 $0xFFFFF000  }
.LBB2_1:
0x18: {  	p1 =	sge.u32 s12, s8  }
0x19: {  	s14 =	sxor.u32 @!p1 $0xFFFFFFFF, s12  }
0x1a: {  	s31 =	sadd.s32 $0xFFFFFFFF, s12;
	s15 =	sshrl.u32 @!p1 s11, $0x3;
	s14 =	sshll.u32 @!p1 s14, $0x5  }
0x1b: {  	s16 =	sand.u32 @!p1 $0x7, s11;
	s15 =	sadd.s32 @!p1 s5, s15;
	s14 =	sand.u32 @!p1 $0x20, s14  }
0x1c: {  	[tilespmem:s14], [sflag:$0x2] =	stream.linear.gather @!p1 [hbm4b:s15+s16], $0x20, $0x38;
	[tilespmem:$0x2040] =	vst v63  }
0x1d: {  	p1 =	sge.u32 s31, s8  }
.Ltmp2:
0x1e: {  	_ = 	snop;
	(pc) =	sbr.rel @p1 .LBB2_7-.Ltmp2, $1  }
0x1f: {  	_ =	sdelay $0x3  }
0x20: {  	s14 =	simm.s32 $0x1  }
0x21: {  	_ =	swait.ge [sflag:s7], $0x20;
	s16 =	sand.u32 $0x1, s12;
	s17 =	simm.s32 $0x0  }
0x22: {  	p1 =	por $0x1, $0x1;
	s14 =	simm.s32 @!p0 $0x0;
	[sflag:s7] =	ssyncset.done $0x0  }
0x23: {  	s15 =	sshll.u32 s16, $0x5;
	s16 =	sshll.u32 s16, $0xC;
	s14 =	sshll.u32 s14, $0xC  }
0x24: {  	[sflag:s7] =	ssyncadd.s32 $0xFFFFFFE0;
	s16 =	sor.u32 $0x40, s16;
	s14 =	sor.u32 $0x40, s14  }
.LBB2_3:
0x25: {  	s18 =	sshll.u32 s17, $0x4  }
0x26: {  	s18 =	sand.u32 $0x3FFFFFF0, s18  }
0x27: {  	s18 =	sadd.s32 s18, s15  }
0x28: {  	v0 =	vld.msk [tilespmem:s18+$0x0 ss:$0x1], $0xffff;
	_ =	sdelay $0x4  }
0x29: {  	vm2 =	vgt.s32 v0, $0x0  }
0x2a: {  	v0 =	vnsel vm2, $0x0, v0  }
0x2b: {  	v0 =	vmin.u32 v0, $0x53F  }
0x2c: {  	v0 =	vshll.u32 v0, $0x4;
	_ =	sdelay $0x1  }
0x2d: {  	s31 =	sshll.u32 s17, $0xB  }
0x2e: {  	p2 =	por p1, p1;
	s17 =	sand.u32 $0x3FFFF800, s31  }
.Ltmp3:
0x2f: {  	s17 =	sadd.s32 s17, s16;
	(pc) =	sbr.rel @p2 .LBB2_3-.Ltmp3, $4  }
0x30: {  	[tilespmem:s17], [sflag:$0x1] =	stream.indirect_vreg.gather [hbm:s2], $0x80, v0, vm0, $0x38;
	[tilespmem:$0x2040] =	vst v63  }
0x31: {  	s17 =	sadd.s32 $0x400, s17  }
0x32: {  	[tilespmem:s17], [sflag:$0x1] =	stream.indirect_vreg.gather [hbm:s2], $0x80, v0, vm1, $0x38;
	[tilespmem:$0x2040] =	vst v63  }
0x33: {  	p1 =	por $0x0, $0x0;
	s17 =	simm.s32 $0x1  }
0x34: {  	_ =	swait.ge [sflag:s6], $0x1000;
	s13 =	sshll.u32 s13, $0x4  }
0x35: {  	s15 =	simm.s32 $0x80;
	[sflag:s6] =	ssyncset.done $0x0;
	s13 =	sadd.s32 s13, s9  }
0x36: {  	s16 =	sadd.s32 $0x400, s14;
	[sflag:s6] =	ssyncadd.s32 $0xFFFFF000;
	s17 =	sadd.s32 $0x0, s13  }
.LBB2_5:
0x37: {  	[hbm:s17] =	stream.linear.scatter [tilespmem:s14], [sflag:$0x3], $0x400, $0x38;
	[tilespmem:$0x2040] =	vst v63  }
0x38: {  	s17 =	smov.u32 s15;
	s14 =	smov.u32 s16;
	p1 =	sne.s32 s15, $0x180  }
.Ltmp4:
0x39: {  	s15 =	sadd.s32 $0x80, s15;
	(pc) =	sbr.rel @p1 .LBB2_5-.Ltmp4, $2  }
0x3a: {  	_ =	sdelay $0x2  }
0x3b: {  	s16 =	sadd.s32 $0x400, s16;
	s17 =	sadd.s32 s17, s13  }
.Ltmp5:
0x3c: {  	_ = 	snop;
	(pc) =	sbr.rel .LBB2_6-.Ltmp5, $1  }
0x3d: {  	_ =	sdelay $0x3  }
.LBB2_8:
0x3e: {  	_ =	sfence.sel $0x180000  }
0x3f: {  	s2 =	simm.s32 $0x2;
	[bflag:$0x0] =	sbarrier.arrive $0xFFFF  }
0x40: {  	s30 =	simm.s32 $0x3;
	[sflag:s2] =	ssyncpa.u1 $0x1  }
0x41: {  	s31 =	simm.s32 $0x1;
	[sflag:s30] =	ssyncpa.u1 $0x1  }
0x42: {  	[sflag:s31] =	ssyncpa.u1 $0x1  }
0x43: {  	p0 =	sne.s32 s0, $0x0;
	_ =	strace $0x90000047  }
0x44: {  	s0 =	sadd.s32 @!p0 $0x100000, s1;
	[bflag:$0x2] =	sbarrier.arrive $0xFFFF  }
0x45: {  	[sflag:s0] =	ssyncadd.tile.s32 @!p0 $0x1;
	_ =	shalt  }
.Lfunc_end2:
_tile_overlayer_lowered:
.L_overlay_start_2:
0x46: {  	(tag) =	ssettag $0x2  }
0x47: {  	s0 =	rddreg [dreg:$0x0];
	s2 =	stileid.u32  }
0x48: {  	s1 =	rddreg [dreg:$0x1];
	p0 =	sne.s32 s2, $0x0  }
0x49: {  	s3 =	rddreg [dreg:$0x2];
	[bflag:$0x3] =	sbarrier.arrive $0xFFFF;
	s2 =	simm.s32 @!p0 $0x1C01  }
0x4a: {  	[timem:s3], [sflag:s2] =	dma.local @!p0 [hbm:s0], s1  }
0x4b: {  	s0 =	simm.s32 @!p0 $0x1  }
0x4c: {  	_ =	swait.ge @!p0 [sflag:s0], s1  }
0x4d: {  	s1 =	ssub.s32 @!p0 $0x0, s1;
	[sflag:s0] =	ssyncset.done @!p0 $0x0  }
0x4e: {  	[sflag:s0] =	ssyncadd.s32 @!p0 s1  }
0x4f: {  	[bflag:$0x3] =	sbarrier.arrive $0xFFFF  }
0x50: {  	_ =	shalt  }

// kernel: kernel.5.cloned.1.call-start
scs
__scs_entry_jumppad:
0x0: {  	(pc) =	sbr.rel $0x88, $3  }
0x1: {  	(tag) =	ssettag $0x0;
	lr =	simm.s32 $0x1  }
0x2: {  	[smem:$0x3F90] =	sst lr;
	_ =	strace $0xD0000000  }
0x3: {  	_ = 	snop  }
0x4: {  	_ = 	snop  }
0x5: {  	_ = 	snop  }
0x6: {  	_ = 	snop  }
0x7: {  	_ = 	snop  }
__scs_overlays_trampoline_lowered:
0x8: {  	[smem:$0x3F9F] =	sst s0  }
0x9: {  	[smem:$0x3FA0] =	sst s1  }
0xa: {  	[smem:$0x3FA1] =	sst s2  }
0xb: {  	[smem:$0x3FA2] =	sst s3  }
0xc: {  	[smem:$0x3FA3] =	sst s4  }
0xd: {  	[smem:$0x3FA4] =	sst s5  }
0xe: {  	[smem:$0x3FA5] =	sst s6  }
0xf: {  	[smem:$0x3FA6] =	sst s7  }
0x10: {  	[smem:$0x3FA7] =	sst s8  }
0x11: {  	[smem:$0x3FA8] =	sst s9;
	s0 =	simm.s32 @!p0 $0x0  }
0x12: {  	s1 =	sld [smem:$0x3F8E];
	s0 =	simm.s32 @p0 $0x1  }
0x13: {  	[smem:$0x3FA9] =	sst s0;
	s0 =	simm.s32 @!p1 $0x0  }
0x14: {  	s2 =	sld [smem:$0x3F8D];
	s0 =	simm.s32 @p1 $0x1  }
0x15: {  	[smem:$0x3FAA] =	sst s0;
	s0 =	simm.s32 @!p2 $0x0  }
0x16: {  	s3 =	sld [smem:$0x3FDB];
	s0 =	simm.s32 @p2 $0x1  }
0x17: {  	s4 =	simm.s32 $0x1BF5;
	[smem:$0x3FAC] =	sst s0  }
0x18: {  	s0 =	sld [smem:$0x3F8F];
	_ =	swait.ge [sflag:s4], $0x0  }
0x19: {  	s7 =	sld [smem:$0x3F90]  }
0x1a: {  	s8 =	sadd.s32 $0xFFFFE003, lr  }
0x1b: {  	s9 =	sadd.s32 $0xFFFFFEF7, lr;
	s5 =	simm.s32 $0xFFFFFFFF;
	p2 =	slt.u32 s8, $0xFFFFF086  }
0x1c: {  	p1 =	slt.u32 s9, $0xF7A;
	s5 =	simm.s32 @!p2 $0x0  }
0x1d: {  	s5 =	simm.s32 @p1 $0x1;
	p0 =	seq.s32 s7, s2  }
0x1e: {  	s7 =	smul.u32 @!p0 $0xF7A, s2;
	p2 =	seq.s32 @!p0 s5, $0x0  }
0x1f: {  	s9 =	smul.u32 $0xF7A, s1;
	s8 =	simm.s32 @!p0 $0x1BF5;
	p2 =	por !p2, p0  }
0x20: {  	[sflag:s8] =	ssyncset.s32 @!p0 $0xFFFFF086;
	s6 =	sadd.s32 @!p0 s3, s7;
	s7 =	simm.s32 @!p0 $0x108  }
0x21: {  	s3 =	sadd.s32 s3, s9;
	s6 =	sadd.s32 @!p0 $0x88, s6;
	s7 =	simm.s32 @p2 $0x1082  }
0x22: {  	[simem:s7], [sflag:s8] =	dma.local @!p0 [hbm:s6], $0xF7A  }
0x23: {  	s9 =	sor.u32 $0xD0000000, s2;
	s6 =	simm.s32 $0x108;
	_ =	swait.ge @!p0 [sflag:s8], $0x0  }
0x24: {  	s3 =	sadd.s32 $0x88, s3;
	s6 =	simm.s32 @!p1 $0x1082;
	[sflag:s4] =	ssyncset.s32 $0xFFFFF086  }
0x25: {  	[simem:s6], [sflag:s4] =	dma.local [hbm:s3], $0xF7A  }
0x26: {  	[smem:$0x3F90] =	sst s1;
	(tag) =	ssettag s2;
	_ =	strace s9  }
0x27: {  	s1 =	sld [smem:$0x3FA0]  }
0x28: {  	s2 =	sld [smem:$0x3FA1]  }
0x29: {  	s4 =	sld [smem:$0x3FA3]  }
0x2a: {  	p0 =	seq.s32 s5, $0x0;
	s5 =	sld [smem:$0x3FA4]  }
0x2b: {  	s6 =	sld [smem:$0x3FA5]  }
0x2c: {  	s7 =	sld [smem:$0x3FA6]  }
0x2d: {  	s3 =	simm.s32 $0x108;
	s8 =	sld [smem:$0x3FA7]  }
0x2e: {  	s3 =	simm.s32 @!p0 $0x1082;
	s9 =	sld [smem:$0x3FA8]  }
0x2f: {  	lr =	sadd.s32 s0, s3;
	s0 =	sld [smem:$0x3F9F]  }
0x30: {  	s3 =	sld [smem:$0x3FA2]  }
0x31: {  	[smem:$0x3FAB] =	sst s10  }
0x32: {  	s10 =	sld [smem:$0x3FA9];
	_ =	sdelay $0x3  }
0x33: {  	p0 =	seq.s32 s10, $0x1;
	s10 =	sld [smem:$0x3FAB];
	_ =	sdelay $0x3  }
0x34: {  	[smem:$0x3FAB] =	sst s10  }
0x35: {  	s10 =	sld [smem:$0x3FAA];
	_ =	sdelay $0x3  }
0x36: {  	p1 =	seq.s32 s10, $0x1;
	s10 =	sld [smem:$0x3FAB];
	_ =	sdelay $0x3  }
0x37: {  	[smem:$0x3FAB] =	sst s10  }
0x38: {  	s10 =	sld [smem:$0x3FAC]  }
0x39: {  	_ = 	snop;
	(pc) =	sbr.ind lr, $3  }
0x3a: {  	_ = 	snop  }
0x3b: {  	_ = 	snop  }
0x3c: {  	p2 =	seq.s32 s10, $0x1;
	s10 =	sld [smem:$0x3FAB]  }
0x3d: {  	_ =	shalt  }
0x3e: {  	_ =	shalt  }
0x3f: {  	_ =	shalt  }
0x40: {  	_ =	shalt  }
0x41: {  	_ =	shalt  }
0x42: {  	_ =	shalt  }
0x43: {  	_ =	shalt  }
0x44: {  	_ =	shalt  }
0x45: {  	_ =	shalt  }
0x46: {  	_ =	shalt  }
0x47: {  	_ =	shalt  }
0x48: {  	_ =	shalt  }
0x49: {  	_ =	shalt  }
0x4a: {  	_ =	shalt  }
0x4b: {  	_ =	shalt  }
0x4c: {  	_ =	shalt  }
0x4d: {  	_ =	shalt  }
0x4e: {  	_ =	shalt  }
0x4f: {  	_ =	shalt  }
0x50: {  	_ =	shalt  }
0x51: {  	_ =	shalt  }
0x52: {  	_ =	shalt  }
0x53: {  	_ =	shalt  }
0x54: {  	_ =	shalt  }
0x55: {  	_ =	shalt  }
0x56: {  	_ =	shalt  }
0x57: {  	_ =	shalt  }
0x58: {  	_ =	shalt  }
0x59: {  	_ =	shalt  }
0x5a: {  	_ =	shalt  }
0x5b: {  	_ =	shalt  }
0x5c: {  	_ =	shalt  }
0x5d: {  	_ =	shalt  }
0x5e: {  	_ =	shalt  }
0x5f: {  	_ =	shalt  }
0x60: {  	_ =	shalt  }
0x61: {  	_ =	shalt  }
0x62: {  	_ =	shalt  }
0x63: {  	_ =	shalt  }
0x64: {  	_ =	shalt  }
0x65: {  	_ =	shalt  }
0x66: {  	_ =	shalt  }
0x67: {  	_ =	shalt  }
0x68: {  	_ =	shalt  }
0x69: {  	_ =	shalt  }
0x6a: {  	_ =	shalt  }
0x6b: {  	_ =	shalt  }
0x6c: {  	_ =	shalt  }
0x6d: {  	_ =	shalt  }
0x6e: {  	_ =	shalt  }
0x6f: {  	_ =	shalt  }
0x70: {  	_ =	shalt  }
0x71: {  	_ =	shalt  }
0x72: {  	_ =	shalt  }
0x73: {  	_ =	shalt  }
0x74: {  	_ =	shalt  }
0x75: {  	_ =	shalt  }
0x76: {  	_ =	shalt  }
0x77: {  	_ =	shalt  }
0x78: {  	_ =	shalt  }
0x79: {  	_ =	shalt  }
0x7a: {  	_ =	shalt  }
0x7b: {  	_ =	shalt  }
0x7c: {  	_ =	shalt  }
0x7d: {  	_ =	shalt  }
0x7e: {  	_ =	shalt  }
0x7f: {  	_ =	shalt  }
0x80: {  	_ =	shalt  }
0x81: {  	_ =	shalt  }
0x82: {  	_ =	shalt  }
0x83: {  	_ =	shalt  }
0x84: {  	_ =	shalt  }
0x85: {  	_ =	shalt  }
0x86: {  	_ =	shalt  }
0x87: {  	_ =	shalt  }
.Lfunc_end0:
.L_simem_size_0:
called_computation.1_lowered:
.L_overlay_start_0:
0x88: {  	s2 =	sld [smem:$0x3FD9]  }
0x89: {  	s3 =	sld [smem:$0x3FFE];
	_ =	sdelay $0x1  }
0x8a: {  	s1 =	srdreg.scid  }
0x8b: {  	s0 =	sand.u32 $0x1, s1  }
0x8c: {  	s17 =	sshll.u32 s0, $0xA;
	s2 =	sadd.s32 s3, s2  }
0x8d: {  	s2 =	sadd.s32 s2, s17  }
0x8e: {  	[smem:$0x3FB7] =	sst s2  }
0x8f: {  	_ = 	snop  }
0x90: {  	(tm) =	ssettm $0x1  }
0x91: {  	s18 =	sld [smem:$0x3FFB];
	_ =	sdelay $0x3  }
0x92: {  	_ =	strace s18  }
0x93: {  	s2 =	sld [smem:$0x3FFC];
	_ =	sdelay $0x3  }
0x94: {  	_ =	strace s2  }
0x95: {  	s2 =	sld [smem:$0x3FFD];
	_ =	sdelay $0x3  }
0x96: {  	_ =	strace s2  }
0x97: {  	_ =	strace $0x8FFFFFFF  }
0x98: {  	s19 =	sld [smem:$0x3FDB];
	_ =	sdelay $0x1  }
0x99: {  	s20 =	simm.s32 $_scs_section_size  }
0x9a: {  	s4 =	simm.s32 $_size__tile_overlayer_lowered;
	s5 =	simm.s32 $_tile_overlayer_lowered  }
0x9b: {  	s6 =	simm.s32 $0x1BFF;
	s21 =	sshll.u32 s5, $0x1;
	s3 =	sadd.s32 s20, s19  }
0x9c: {  	s22 =	simm.s32 $0x0;
	s4 =	sshll.u32 s4, $0x1;
	s5 =	sadd.s32 s21, s3  }
0x9d: {  	[timem:s22], [sflag:s6] =	dma.local [hbm:s5], s4  }
0x9e: {  	_ =	swait.ge [sflag:s6], s4  }
0x9f: {  	s4 =	ssub.s32 $0x0, s4;
	[sflag:s6] =	ssyncset.done $0x0  }
0xa0: {  	[sflag:s6] =	ssyncadd.s32 s4;
	_ =	sdelay $0x1  }
0xa1: {  	s23 =	simm.s32 $0x1B8B  }
0xa2: {  	_ =	swait.ge [sflag:s23], $0x1  }
0xa3: {  	[sflag:s23] =	ssyncset.done $0x0  }
0xa4: {  	[sflag:s23] =	ssyncadd.s32 $0xFFFFFFFF  }
0xa5: {  	s4 =	sld [smem:$0x0]  }
0xa6: {  	s5 =	sand.u32 $0xFFFFFFFE, s1  }
0xa7: {  	p0 =	sne.s32 s1, s5  }
0xa8: {  	s5 =	sshll.u32 @p0 s5, $0xE  }
0xa9: {  	s5 =	sadd.s32 @p0 $0x11B8D, s5;
	s6 =	sshll.u32 @p0 s4, $0x11  }
0xaa: {  	s5 =	sor.u32 @p0 s6, s5  }
0xab: {  	[sflag:s5] =	ssyncadd.remote.s32 @p0 $0x1;
	_ =	sdelay $0x1  }
0xac: {  	s5 =	simm.s32 @p0 $0x1B8D  }
0xad: {  	_ =	swait.eq @p0 [sflag:s5], $0x1  }
0xae: {  	[sflag:s5] =	ssyncadd.s32 @p0 $0xFFFFFFFF  }
0xaf: {  	s6 =	sshll.u32 @!p0 s1, $0xE  }
0xb0: {  	s6 =	sor.u32 @!p0 $0x4000, s6;
	s5 =	simm.s32 @!p0 $0x1B8D  }
0xb1: {  	s4 =	sshll.u32 @!p0 s4, $0x11;
	s6 =	sadd.s32 @!p0 $0x11B8D, s6;
	_ =	swait.eq @!p0 [sflag:s5], $0x1  }
0xb2: {  	s4 =	sor.u32 @!p0 s4, s6;
	[sflag:s5] =	ssyncadd.s32 @!p0 $0xFFFFFFFF  }
0xb3: {  	s25 =	simm.s32 $0x1B8E;
	s24 =	sld [smem:$0x3FFE];
	[sflag:s4] =	ssyncadd.remote.s32 @!p0 $0x1  }
0xb4: {  	s26 =	simm.s32 $execute0_lowered;
	[smem:$0x3FD2] =	sst s25  }
0xb5: {  	s5 =	sshll.u32 s26, $0x1;
	_ =	strace $0x80000049;
	[dreg:$0x1] =	wrdreg $0xFFFFFFFF  }
0xb6: {  	s28 =	simm.s32 $_size_execute0_lowered;
	s3 =	sadd.s32 s3, s5;
	[dreg:$0x0] =	wrdreg $0x0  }
0xb7: {  	s5 =	sshll.u32 s28, $0x1;
	[dreg:$0x2] =	wrdreg s3  }
0xb8: {  	[dreg:$0x3] =	wrdreg s5  }
0xb9: {  	[dreg:$0x4] =	wrdreg $0xC0  }
0xba: {  	_ =	task [dreg:s22], $0x5FFFF  }
0xbb: {  	[dreg:$0x1] =	wrdreg $0xFFFFFFFF  }
0xbc: {  	[dreg:$0x0] =	wrdreg $0x60  }
0xbd: {  	[dreg:$0x2] =	wrdreg s24  }
0xbe: {  	[dreg:$0x3] =	wrdreg $0xA  }
0xbf: {  	_ =	task.clear_ibuf [dreg:s22], $0x4FFFF;
	_ =	strace $0x90000049  }
0xc0: {  	s29 =	simm.s32 $0xA;
	_ =	strace $0x8000004B  }
0xc1: {  	_ =	swait.ge [sflag:s29], $0x1  }
0xc2: {  	[sflag:s29] =	ssyncadd.s32 $0xFFFFFFFF  }
0xc3: {  	_ =	strace $0x9000004B  }
0xc4: {  	_ =	sfence  }
0xc5: {  	s30 =	sld [smem:$0x0];
	_ =	sdelay $0x2  }
0xc6: {  	s31 =	sshll.u32 s1, $0xD;
	s1 =	sshrl.u32 s1, $0x2  }
0xc7: {  	s4 =	sand.u32 $0x4000, s31;
	s1 =	sadd.s32 s1, s30  }
0xc8: {  	s0 =	sor.u32 s4, s0;
	s1 =	sshll.u32 s1, $0x11  }
0xc9: {  	s0 =	sor.u32 s1, s0  }
0xca: {  	s0 =	sadd.s32 $0x8F2B, s0  }
0xcb: {  	[sflag:s0] =	ssyncadd.remote.s32 $0x1  }
0xcc: {  	_ =	sfence.sel $0xFFFF  }
0xcd: {  	[dreg:$0x0] =	wrdreg $0xFFFFFFFF;
	(pc) =	sbr.abs _section_cstart, $3  }
0xce: {  	[dreg:$0x1] =	wrdreg $0xFFFFFFFF  }
0xcf: {  	_ =	task.clear_ibuf [dreg:s22], $0x2FFFF;
	_ =	strace $0x9FFFFFFF  }
0xd0: {  	(tm) =	ssettm $0x7FFFFFFF  }
0xd1: {  	_ =	shalt  }
tec
execute0_lowered:
.L_overlay_start_1:
0x0: {  	(tag) =	ssettag $0x1  }
0x1: {  	s0 =	srdreg.scid;
	s5 =	stileid.u32  }
0x2: {  	s1 =	rddreg [dreg:$0x0];
	s2 =	simm.s32 $0x0;
	s8 =	simm.s32 $0x28  }
0x3: {  	s9 =	simm.s32 $0x1388;
	s12 =	simm.s32 $0x9588;
	s15 =	simm.s32 $0x11788  }
0x4: {  	s16 =	simm.s32 $0x1;
	s17 =	simm.s32 $0x3;
	s18 =	simm.s32 $0x5  }
0x5: {  	s19 =	simm.s32 $0x6;
	s20 =	simm.s32 $0x7;
	s21 =	simm.s32 $0x8  }
0x6: {  	s22 =	simm.s32 $0x9;
	s0 =	sand.u32 $0x1, s0;
	s3 =	sshll.u32 s5, $0x1  }
0x7: {  	s23 =	simm.s32 $0xA;
	s5 =	smul.u32 $0x7EF40, s5;
	s3 =	sor.u32 s0, s3  }
0x8: {  	[smem:$0x7FF] =	sst s2;
	s6 =	ssub.s32 $0x2, s0;
	s4 =	smul.u32 $0x1388, s3  }
0x9: {  	_ =	strace $0x8000004A;
	s0 =	smul.u32 $0x3F7A0, s0;
	s7 =	sshrl.u32 s6, $0x1  }
0xa: {  	s3 =	sadd.s32 $0x2AE000, s1;
	s6 =	ssub.s32 s6, s7;
	s4 =	sshrl.u32 s4, $0x3  }
0xb: {  	s5 =	sadd.s32 s5, s1;
	s31 =	smax.u32 s6, $0x1;
	s1 =	sadd.s32 s4, s1  }
0xc: {  	s0 =	sadd.s32 s0, s5;
	[dreg:$0x3] =	wrdreg s31;
	s1 =	sadd.s32 $0x140400, s1  }
0xd: {  	s24 =	simm.s32 $0x0;
	s6 =	sadd.s32 $0x32E040, s0;
	[dreg:$0x2] =	wrdreg s1  }
.LBB2_1:
0xe: {  	s0 =	rddreg [dreg:$0x2];
	s10 =	simm.s32 $0xB  }
0xf: {  	[tilespmem:s2], [sflag:$0xB] =	stream.linear.gather [hbm4b:s0+s2], $0x1388, $0x38;
	[tilespmem:$0x15888] =	vst v63  }
0x10: {  	_ =	swait.ge [sflag:s10], $0x1388  }
0x11: {  	[sflag:s10] =	ssyncset.done $0x0  }
0x12: {  	[sflag:s10] =	ssyncadd.s32 $0xFFFFEC78  }
0x13: {  	[tilespmem:s9], [sflag:$0x1] =	stream.indirect.gather [hbm4b:s3+s8], $0x1A0, s2, s8, $0xb8;
	[tilespmem:$0x15888] =	vst v63  }
0x14: {  	s11 =	simm.s32 $0x5488  }
0x15: {  	[tilespmem:s11], [sflag:$0x2] =	stream.indirect.gather [hbm4b:s3+s8], $0x1A0, s8, s8, $0xb8;
	[tilespmem:$0x15888] =	vst v63  }
0x16: {  	s13 =	simm.s32 $0x50;
	p0 =	por $0x1, $0x1  }
0x17: {  	[tilespmem:s12], [sflag:$0x3] =	stream.indirect.gather [hbm4b:s3+s8], $0x1A0, s13, s8, $0xb8;
	[tilespmem:$0x15888] =	vst v63  }
0x18: {  	s14 =	simm.s32 $0x78;
	s1 =	simm.s32 $0xD688;
	s0 =	simm.s32 @!p0 $0xA  }
0x19: {  	[tilespmem:s1], [sflag:$0x4] =	stream.indirect.gather [hbm4b:s3+s8], $0x1A0, s14, s8, $0xb8;
	[tilespmem:$0x15888] =	vst v63  }
0x1a: {  	_ =	swait.ge @!p0 [sflag:s0], $0x4100  }
0x1b: {  	[sflag:s0] =	ssyncset.done @!p0 $0x0  }
0x1c: {  	s25 =	simm.s32 $0xA0;
	[sflag:s0] =	ssyncadd.s32 @!p0 $0xFFFFBF00  }
0x1d: {  	[tilespmem:s15], [sflag:$0x5] =	stream.indirect.gather [hbm4b:s3+s8], $0x1A0, s25, s8, $0xb8;
	[tilespmem:$0x15888] =	vst v63  }
0x1e: {  	_ =	swait.ge [sflag:s16], $0x4100  }
0x1f: {  	p0 =	por $0x0, $0x0;
	[sflag:s16] =	ssyncset.done $0x0  }
0x20: {  	s26 =	sadd.s32 $0xFFFFEFC0, s6;
	s1 =	simm.s32 @p0 $0x2;
	[sflag:s16] =	ssyncadd.s32 $0xFFFFBF00  }
0x21: {  	[hbm4b:s26+s2] =	stream.linear.scatter [tilespmem:s9], [sflag:$0x6], $0x4100, $0x38;
	[tilespmem:$0x15888] =	vst v63  }
0x22: {  	_ =	swait.ge @p0 [sflag:s1], $0x4100  }
0x23: {  	s0 =	simm.s32 @p0 $0x5488;
	s25 =	sadd.s32 @p0 $0xFFFFF7E0, s6;
	[sflag:s1] =	ssyncset.done @p0 $0x0  }
0x24: {  	s26 =	simm.s32 @p0 $0x0;
	[sflag:s1] =	ssyncadd.s32 @p0 $0xFFFFBF00;
	s1 =	simm.s32 @!p0 $0x6  }
0x25: {  	[hbm4b:s25+s26] =	stream.linear.scatter @p0 [tilespmem:s0], [sflag:$0x7], $0x4100, $0x38;
	[tilespmem:$0x15888] =	vst v63  }
0x26: {  	_ =	swait.ge @!p0 [sflag:s1], $0x4100  }
0x27: {  	s28 =	simm.s32 @!p0 $0x1388;
	s0 =	simm.s32 @!p0 $0xC8;
	[sflag:s1] =	ssyncset.done @!p0 $0x0  }
0x28: {  	s25 =	simm.s32 @!p0 $0x28;
	[sflag:s1] =	ssyncadd.s32 @!p0 $0xFFFFBF00;
	s1 =	simm.s32 @!p0 $0x2  }
0x29: {  	[tilespmem:s28], [sflag:$0x1] =	stream.indirect.gather @!p0 [hbm4b:s3+s25], $0x1A0, s0, s25, $0xb8;
	[tilespmem:$0x15888] =	vst v63  }
0x2a: {  	_ =	swait.ge @!p0 [sflag:s1], $0x4100  }
0x2b: {  	s29 =	simm.s32 @!p0 $0x0;
	s0 =	simm.s32 @!p0 $0x5488;
	[sflag:s1] =	ssyncset.done @!p0 $0x0  }
0x2c: {  	s28 =	sadd.s32 @!p0 $0xFFFFF7E0, s6;
	[sflag:s1] =	ssyncadd.s32 @!p0 $0xFFFFBF00;
	s1 =	simm.s32 @!p0 $0x7  }
0x2d: {  	[hbm4b:s28+s29] =	stream.linear.scatter @!p0 [tilespmem:s0], [sflag:$0x7], $0x4100, $0x38;
	[tilespmem:$0x15888] =	vst v63  }
0x2e: {  	_ =	swait.ge @!p0 [sflag:s1], $0x4100  }
0x2f: {  	[sflag:s1] =	ssyncset.done @!p0 $0x0  }
0x30: {  	s28 =	simm.s32 @!p0 $0xF0;
	[sflag:s1] =	ssyncadd.s32 @!p0 $0xFFFFBF00  }
0x31: {  	[tilespmem:s0], [sflag:$0x2] =	stream.indirect.gather @!p0 [hbm4b:s3+s25], $0x1A0, s28, s25, $0xb8;
	[tilespmem:$0x15888] =	vst v63  }
0x32: {  	_ =	swait.ge [sflag:s17], $0x4100  }
0x33: {  	[sflag:s17] =	ssyncset.done $0x0  }
0x34: {  	s0 =	simm.s32 @p0 $0x4;
	[sflag:s17] =	ssyncadd.s32 $0xFFFFBF00  }
0x35: {  	[hbm4b:s6+s2] =	stream.linear.scatter [tilespmem:s12], [sflag:$0x8], $0x4100, $0x38;
	[tilespmem:$0x15888] =	vst v63  }
0x36: {  	_ =	swait.ge @p0 [sflag:s0], $0x4100  }
0x37: {  	s1 =	sadd.s32 @p0 $0x820, s6;
	[sflag:s0] =	ssyncset.done @p0 $0x0  }
0x38: {  	s28 =	simm.s32 @p0 $0xD688;
	[sflag:s0] =	ssyncadd.s32 @p0 $0xFFFFBF00;
	s0 =	simm.s32 @!p0 $0x8  }
0x39: {  	[hbm4b:s1+s26] =	stream.linear.scatter @p0 [tilespmem:s28], [sflag:$0x9], $0x4100, $0x38;
	[tilespmem:$0x15888] =	vst v63  }
0x3a: {  	_ =	swait.ge @!p0 [sflag:s0], $0x4100  }
0x3b: {  	s1 =	simm.s32 @!p0 $0x118;
	[sflag:s0] =	ssyncset.done @!p0 $0x0  }
0x3c: {  	s26 =	simm.s32 @!p0 $0x9588;
	[sflag:s0] =	ssyncadd.s32 @!p0 $0xFFFFBF00;
	s0 =	simm.s32 @!p0 $0x4  }
0x3d: {  	[tilespmem:s26], [sflag:$0x3] =	stream.indirect.gather @!p0 [hbm4b:s3+s25], $0x1A0, s1, s25, $0xb8;
	[tilespmem:$0x15888] =	vst v63  }
0x3e: {  	_ =	swait.ge @!p0 [sflag:s0], $0x4100  }
0x3f: {  	s30 =	simm.s32 @!p0 $0xD688;
	[sflag:s0] =	ssyncset.done @!p0 $0x0  }
0x40: {  	s1 =	sadd.s32 @!p0 $0x820, s6;
	[sflag:s0] =	ssyncadd.s32 @!p0 $0xFFFFBF00;
	s0 =	simm.s32 @!p0 $0x9  }
0x41: {  	[hbm4b:s1+s29] =	stream.linear.scatter @!p0 [tilespmem:s30], [sflag:$0x9], $0x4100, $0x38;
	[tilespmem:$0x15888] =	vst v63  }
0x42: {  	p1 =	por $0x0, $0x0;
	s26 =	sadd.s32 $0x28A0, s6;
	_ =	swait.ge @!p0 [sflag:s0], $0x4100  }
0x43: {  	s28 =	simm.s32 $0x320;
	s31 =	sadd.s32 $0x28A0, s26;
	[sflag:s0] =	ssyncset.done @!p0 $0x0  }
0x44: {  	s1 =	simm.s32 @!p0 $0x140;
	s29 =	sadd.s32 $0x1040, s6;
	[sflag:s0] =	ssyncadd.s32 @!p0 $0xFFFFBF00  }
0x45: {  	[tilespmem:s30], [sflag:$0x4] =	stream.indirect.gather @!p0 [hbm4b:s3+s25], $0x1A0, s1, s25, $0xb8;
	[tilespmem:$0x15888] =	vst v63  }
0x46: {  	s30 =	simm.s32 $0x640;
	s25 =	sadd.s32 $0x1040, s26;
	_ =	swait.ge [sflag:s18], $0x4100  }
.LBB2_2:
0x47: {  	s0 =	simm.s32 @!p1 $0xA  }
0x48: {  	[sflag:s18] =	ssyncset.done $0x0;
	s10 =	smov.u32 s30;
	s30 =	sadd.s32 $0x320, s30  }
0x49: {  	s1 =	sadd.s32 $0x1040, s31;
	p0 =	sne.s32 s30, $0x4E20;
	[sflag:s18] =	ssyncadd.s32 $0xFFFFBF00  }
0x4a: {  	[hbm4b:s29+s2] =	stream.linear.scatter [tilespmem:s15], [sflag:$0xA], $0x4100, $0x38;
	[tilespmem:$0x15888] =	vst v63  }
0x4b: {  	s11 =	sshra.s32 s28, $0x2;
	s29 =	smov.u32 s25;
	_ =	swait.ge @!p1 [sflag:s0], $0x4100  }
0x4c: {  	s11 =	sadd.s32 $0xA0, s11;
	s25 =	smov.u32 s1;
	[sflag:s0] =	ssyncset.done @!p1 $0x0  }
0x4d: {  	[sflag:s0] =	ssyncadd.s32 @!p1 $0xFFFFBF00  }
0x4e: {  	[tilespmem:s15], [sflag:$0x5] =	stream.indirect.gather [hbm4b:s3+s8], $0x1A0, s11, s8, $0xb8;
	[tilespmem:$0x15888] =	vst v63  }
0x4f: {  	_ =	swait.ge [sflag:s16], $0x4100  }
0x50: {  	s0 =	sadd.s32 $0xFFFFEFC0, s26;
	p1 =	seq.s32 s28, $0x4B00;
	[sflag:s16] =	ssyncset.done $0x0  }
0x51: {  	s1 =	simm.s32 @p1 $0x2;
	s11 =	sshra.s32 @!p1 s28, $0x2;
	[sflag:s16] =	ssyncadd.s32 $0xFFFFBF00  }
0x52: {  	[hbm4b:s0+s2] =	stream.linear.scatter [tilespmem:s9], [sflag:$0x6], $0x4100, $0x38;
	[tilespmem:$0x15888] =	vst v63  }
0x53: {  	s13 =	sadd.s32 @!p1 $0xC8, s11;
	s0 =	simm.s32 @p1 $0x5488;
	_ =	swait.ge @p1 [sflag:s1], $0x4100  }
0x54: {  	s28 =	sadd.s32 @p1 $0xFFFFF7E0, s26;
	s14 =	simm.s32 @p1 $0x0;
	[sflag:s1] =	ssyncset.done @p1 $0x0  }
0x55: {  	s4 =	simm.s32 @!p1 $0x6;
	s5 =	sadd.s32 @!p1 $0xF0, s11;
	[sflag:s1] =	ssyncadd.s32 @p1 $0xFFFFBF00  }
0x56: {  	[hbm4b:s28+s14] =	stream.linear.scatter @p1 [tilespmem:s0], [sflag:$0x7], $0x4100, $0x38;
	[tilespmem:$0x15888] =	vst v63  }
0x57: {  	s7 =	sadd.s32 @!p1 $0x118, s11;
	s1 =	sadd.s32 @!p1 $0x140, s11;
	_ =	swait.ge @!p1 [sflag:s4], $0x4100  }
0x58: {  	s11 =	simm.s32 @!p1 $0x1388;
	s0 =	simm.s32 @!p1 $0x28;
	[sflag:s4] =	ssyncset.done @!p1 $0x0  }
0x59: {  	s28 =	smov.u32 s10;
	[sflag:s4] =	ssyncadd.s32 @!p1 $0xFFFFBF00;
	s4 =	simm.s32 @!p1 $0x2  }
0x5a: {  	[tilespmem:s11], [sflag:$0x1] =	stream.indirect.gather @!p1 [hbm4b:s3+s0], $0x1A0, s13, s0, $0xb8;
	[tilespmem:$0x15888] =	vst v63  }
0x5b: {  	s10 =	simm.s32 @!p1 $0x5488;
	_ =	swait.ge @!p1 [sflag:s4], $0x4100  }
0x5c: {  	s11 =	sadd.s32 @!p1 $0xFFFFF7E0, s26;
	s13 =	simm.s32 @!p1 $0x0;
	[sflag:s4] =	ssyncset.done @!p1 $0x0  }
0x5d: {  	[sflag:s4] =	ssyncadd.s32 @!p1 $0xFFFFBF00;
	s4 =	simm.s32 @!p1 $0x7  }
0x5e: {  	[hbm4b:s11+s13] =	stream.linear.scatter @!p1 [tilespmem:s10], [sflag:$0x7], $0x4100, $0x38;
	[tilespmem:$0x15888] =	vst v63  }
0x5f: {  	_ =	swait.ge @!p1 [sflag:s4], $0x4100  }
0x60: {  	[sflag:s4] =	ssyncset.done @!p1 $0x0  }
0x61: {  	[sflag:s4] =	ssyncadd.s32 @!p1 $0xFFFFBF00  }
0x62: {  	[tilespmem:s10], [sflag:$0x2] =	stream.indirect.gather @!p1 [hbm4b:s3+s0], $0x1A0, s5, s0, $0xb8;
	[tilespmem:$0x15888] =	vst v63  }
0x63: {  	_ =	swait.ge [sflag:s17], $0x4100  }
0x64: {  	[sflag:s17] =	ssyncset.done $0x0  }
0x65: {  	s4 =	simm.s32 @p1 $0x4;
	[sflag:s17] =	ssyncadd.s32 $0xFFFFBF00  }
0x66: {  	[hbm4b:s26+s2] =	stream.linear.scatter [tilespmem:s12], [sflag:$0x8], $0x4100, $0x38;
	[tilespmem:$0x15888] =	vst v63  }
0x67: {  	_ =	swait.ge @p1 [sflag:s4], $0x4100  }
0x68: {  	s5 =	sadd.s32 @p1 $0x820, s26;
	s10 =	simm.s32 @p1 $0xD688;
	[sflag:s4] =	ssyncset.done @p1 $0x0  }
0x69: {  	[sflag:s4] =	ssyncadd.s32 @p1 $0xFFFFBF00;
	s4 =	simm.s32 @!p1 $0x8  }
0x6a: {  	[hbm4b:s5+s14] =	stream.linear.scatter @p1 [tilespmem:s10], [sflag:$0x9], $0x4100, $0x38;
	[tilespmem:$0x15888] =	vst v63  }
0x6b: {  	_ =	swait.ge @!p1 [sflag:s4], $0x4100  }
0x6c: {  	s5 =	simm.s32 @!p1 $0x9588;
	[sflag:s4] =	ssyncset.done @!p1 $0x0  }
0x6d: {  	[sflag:s4] =	ssyncadd.s32 @!p1 $0xFFFFBF00;
	s4 =	simm.s32 @!p1 $0x4  }
0x6e: {  	[tilespmem:s5], [sflag:$0x3] =	stream.indirect.gather @!p1 [hbm4b:s3+s0], $0x1A0, s7, s0, $0xb8;
	[tilespmem:$0x15888] =	vst v63  }
0x6f: {  	_ =	swait.ge @!p1 [sflag:s4], $0x4100  }
0x70: {  	s5 =	sadd.s32 @!p1 $0x820, s26;
	s7 =	simm.s32 @!p1 $0xD688;
	[sflag:s4] =	ssyncset.done @!p1 $0x0  }
0x71: {  	s26 =	smov.u32 s31;
	[sflag:s4] =	ssyncadd.s32 @!p1 $0xFFFFBF00;
	s4 =	simm.s32 @!p1 $0x9  }
0x72: {  	[hbm4b:s5+s13] =	stream.linear.scatter @!p1 [tilespmem:s7], [sflag:$0x9], $0x4100, $0x38;
	[tilespmem:$0x15888] =	vst v63  }
.Ltmp0:
0x73: {  	_ =	swait.ge @!p1 [sflag:s4], $0x4100;
	(pc) =	sbr.rel @p0 .LBB2_2-.Ltmp0, $4  }
0x74: {  	[sflag:s4] =	ssyncset.done @!p1 $0x0  }
0x75: {  	[sflag:s4] =	ssyncadd.s32 @!p1 $0xFFFFBF00  }
0x76: {  	[tilespmem:s7], [sflag:$0x4] =	stream.indirect.gather @!p1 [hbm4b:s3+s0], $0x1A0, s1, s0, $0xb8;
	[tilespmem:$0x15888] =	vst v63  }
0x77: {  	s31 =	sadd.s32 $0x28A0, s31;
	p1 =	seq.s32 s28, $0x0;
	_ =	swait.ge [sflag:s18], $0x4100  }
0x78: {  	[sflag:s18] =	ssyncset.done $0x0  }
0x79: {  	s0 =	simm.s32 @!p1 $0xA;
	[sflag:s18] =	ssyncadd.s32 $0xFFFFBF00  }
0x7a: {  	[hbm4b:s29+s2] =	stream.linear.scatter [tilespmem:s15], [sflag:$0xA], $0x4100, $0x38;
	[tilespmem:$0x15888] =	vst v63  }
0x7b: {  	_ =	swait.ge @!p1 [sflag:s0], $0x4100  }
0x7c: {  	s1 =	sshra.s32 s28, $0x2;
	[sflag:s0] =	ssyncset.done @!p1 $0x0  }
0x7d: {  	s1 =	sadd.s32 $0xA0, s1;
	[sflag:s0] =	ssyncadd.s32 @!p1 $0xFFFFBF00  }
0x7e: {  	[tilespmem:s15], [sflag:$0x5] =	stream.indirect.gather [hbm4b:s3+s8], $0x1A0, s1, s8, $0xb8;
	[tilespmem:$0x15888] =	vst v63  }
0x7f: {  	_ =	swait.ge [sflag:s16], $0x4100  }
0x80: {  	p0 =	seq.s32 s28, $0x4B00;
	[sflag:s16] =	ssyncset.done $0x0  }
0x81: {  	s30 =	sadd.s32 $0xFFFFEFC0, s26;
	s1 =	simm.s32 @p0 $0x2;
	[sflag:s16] =	ssyncadd.s32 $0xFFFFBF00  }
0x82: {  	[hbm4b:s30+s2] =	stream.linear.scatter [tilespmem:s9], [sflag:$0x6], $0x4100, $0x38;
	[tilespmem:$0x15888] =	vst v63  }
0x83: {  	_ =	swait.ge @p0 [sflag:s1], $0x4100  }
0x84: {  	s4 =	sadd.s32 @p0 $0xFFFFF7E0, s26;
	s5 =	simm.s32 @p0 $0x0;
	[sflag:s1] =	ssyncset.done @p0 $0x0  }
0x85: {  	s0 =	simm.s32 @p0 $0x5488;
	[sflag:s1] =	ssyncadd.s32 @p0 $0xFFFFBF00;
	s1 =	simm.s32 @!p0 $0x6  }
0x86: {  	[hbm4b:s4+s5] =	stream.linear.scatter @p0 [tilespmem:s0], [sflag:$0x7], $0x4100, $0x38;
	[tilespmem:$0x15888] =	vst v63  }
0x87: {  	s7 =	simm.s32 @!p0 $0x28;
	_ =	swait.ge @!p0 [sflag:s1], $0x4100  }
0x88: {  	s10 =	simm.s32 @!p0 $0x1388;
	s0 =	sshra.s32 @!p0 s28, $0x2;
	[sflag:s1] =	ssyncset.done @!p0 $0x0  }
0x89: {  	s4 =	sadd.s32 @!p0 $0xC8, s0;
	[sflag:s1] =	ssyncadd.s32 @!p0 $0xFFFFBF00;
	s1 =	simm.s32 @!p0 $0x2  }
0x8a: {  	[tilespmem:s10], [sflag:$0x1] =	stream.indirect.gather @!p0 [hbm4b:s3+s7], $0x1A0, s4, s7, $0xb8;
	[tilespmem:$0x15888] =	vst v63  }
0x8b: {  	_ =	swait.ge @!p0 [sflag:s1], $0x4100  }
0x8c: {  	s4 =	simm.s32 @!p0 $0x5488;
	[sflag:s1] =	ssyncset.done @!p0 $0x0  }
0x8d: {  	s10 =	sadd.s32 @!p0 $0xFFFFF7E0, s26;
	[sflag:s1] =	ssyncadd.s32 @!p0 $0xFFFFBF00;
	s1 =	simm.s32 @!p0 $0x0  }
0x8e: {  	[hbm4b:s10+s1] =	stream.linear.scatter @!p0 [tilespmem:s4], [sflag:$0x7], $0x4100, $0x38;
	[tilespmem:$0x15888] =	vst v63  }
0x8f: {  	s10 =	simm.s32 @!p0 $0x7  }
0x90: {  	_ =	swait.ge @!p0 [sflag:s10], $0x4100  }
0x91: {  	[sflag:s10] =	ssyncset.done @!p0 $0x0  }
0x92: {  	[sflag:s10] =	ssyncadd.s32 @!p0 $0xFFFFBF00;
	s10 =	sadd.s32 @!p0 $0xF0, s0  }
0x93: {  	[tilespmem:s4], [sflag:$0x2] =	stream.indirect.gather @!p0 [hbm4b:s3+s7], $0x1A0, s10, s7, $0xb8;
	[tilespmem:$0x15888] =	vst v63  }
0x94: {  	_ =	swait.ge [sflag:s17], $0x4100  }
0x95: {  	[sflag:s17] =	ssyncset.done $0x0  }
0x96: {  	s4 =	simm.s32 @p0 $0x4;
	[sflag:s17] =	ssyncadd.s32 $0xFFFFBF00  }
0x97: {  	[hbm4b:s26+s2] =	stream.linear.scatter [tilespmem:s12], [sflag:$0x8], $0x4100, $0x38;
	[tilespmem:$0x15888] =	vst v63  }
0x98: {  	_ =	swait.ge @p0 [sflag:s4], $0x4100  }
0x99: {  	[sflag:s4] =	ssyncset.done @p0 $0x0  }
0x9a: {  	s10 =	sadd.s32 @p0 $0x820, s26;
	[sflag:s4] =	ssyncadd.s32 @p0 $0xFFFFBF00;
	s4 =	simm.s32 @p0 $0xD688  }
0x9b: {  	[hbm4b:s10+s5] =	stream.linear.scatter @p0 [tilespmem:s4], [sflag:$0x9], $0x4100, $0x38;
	[tilespmem:$0x15888] =	vst v63  }
0x9c: {  	s4 =	simm.s32 @!p0 $0x8  }
0x9d: {  	_ =	swait.ge @!p0 [sflag:s4], $0x4100  }
0x9e: {  	[sflag:s4] =	ssyncset.done @!p0 $0x0  }
0x9f: {  	s5 =	sadd.s32 @!p0 $0x118, s0;
	[sflag:s4] =	ssyncadd.s32 @!p0 $0xFFFFBF00;
	s4 =	simm.s32 @!p0 $0x9588  }
0xa0: {  	[tilespmem:s4], [sflag:$0x3] =	stream.indirect.gather @!p0 [hbm4b:s3+s7], $0x1A0, s5, s7, $0xb8;
	[tilespmem:$0x15888] =	vst v63  }
0xa1: {  	s4 =	simm.s32 @!p0 $0x4  }
0xa2: {  	_ =	swait.ge @!p0 [sflag:s4], $0x4100  }
0xa3: {  	[sflag:s4] =	ssyncset.done @!p0 $0x0  }
0xa4: {  	s5 =	sadd.s32 @!p0 $0x820, s26;
	[sflag:s4] =	ssyncadd.s32 @!p0 $0xFFFFBF00;
	s4 =	simm.s32 @!p0 $0xD688  }
0xa5: {  	[hbm4b:s5+s1] =	stream.linear.scatter @!p0 [tilespmem:s4], [sflag:$0x9], $0x4100, $0x38;
	[tilespmem:$0x15888] =	vst v63  }
0xa6: {  	s1 =	simm.s32 @!p0 $0x9  }
0xa7: {  	_ =	swait.ge @!p0 [sflag:s1], $0x4100  }
0xa8: {  	[sflag:s1] =	ssyncset.done @!p0 $0x0  }
0xa9: {  	s0 =	sadd.s32 @!p0 $0x140, s0;
	[sflag:s1] =	ssyncadd.s32 @!p0 $0xFFFFBF00  }
0xaa: {  	[tilespmem:s4], [sflag:$0x4] =	stream.indirect.gather @!p0 [hbm4b:s3+s7], $0x1A0, s0, s7, $0xb8;
	[tilespmem:$0x15888] =	vst v63  }
0xab: {  	_ =	swait.ge [sflag:s18], $0x4100  }
0xac: {  	[sflag:s18] =	ssyncset.done $0x0  }
0xad: {  	[sflag:s18] =	ssyncadd.s32 $0xFFFFBF00  }
0xae: {  	[hbm4b:s25+s2] =	stream.linear.scatter [tilespmem:s15], [sflag:$0xA], $0x4100, $0x38;
	[tilespmem:$0x15888] =	vst v63  }
0xaf: {  	_ =	swait.ge [sflag:s19], $0x4100  }
0xb0: {  	[sflag:s19] =	ssyncset.done $0x0  }
0xb1: {  	[sflag:s19] =	ssyncadd.s32 $0xFFFFBF00  }
0xb2: {  	_ =	swait.ge [sflag:s20], $0x4100  }
0xb3: {  	[sflag:s20] =	ssyncset.done $0x0  }
0xb4: {  	[sflag:s20] =	ssyncadd.s32 $0xFFFFBF00  }
0xb5: {  	_ =	swait.ge [sflag:s21], $0x4100  }
0xb6: {  	[sflag:s21] =	ssyncset.done $0x0  }
0xb7: {  	[sflag:s21] =	ssyncadd.s32 $0xFFFFBF00  }
0xb8: {  	_ =	swait.ge [sflag:s22], $0x4100  }
0xb9: {  	[sflag:s22] =	ssyncset.done $0x0  }
0xba: {  	[sflag:s22] =	ssyncadd.s32 $0xFFFFBF00  }
0xbb: {  	_ =	swait.ge [sflag:s23], $0x4100  }
0xbc: {  	s24 =	sadd.s32 $0x1, s24;
	s31 =	rddreg [dreg:$0x3]  }
0xbd: {  	p0 =	sne.s32 s24, s31  }
.Ltmp1:
0xbe: {  	_ = 	snop;
	(pc) =	sbr.rel @p0 .LBB2_1-.Ltmp1, $3  }
0xbf: {  	_ =	sdelay $0x1  }
0xc0: {  	[sflag:s23] =	ssyncset.done $0x0  }
0xc1: {  	[sflag:s23] =	ssyncadd.s32 $0xFFFFBF00  }
0xc2: {  	_ =	sfence.sel $0x180000  }
0xc3: {  	[bflag:$0x0] =	sbarrier.arrive $0xFFFF  }
0xc4: {  	_ =	strace $0x9000004A  }
0xc5: {  	s0 =	stileid.u32;
	[bflag:$0x2] =	sbarrier.arrive $0xFFFF  }
0xc6: {  	p0 =	sne.s32 s0, $0x0;
	s0 =	rddreg [dreg:$0x1]  }
0xc7: {  	s0 =	sadd.s32 @!p0 $0x100000, s0  }
0xc8: {  	[sflag:s0] =	ssyncadd.tile.s32 @!p0 $0x1;
	_ =	shalt  }
.Lfunc_end2:
_tile_overlayer_lowered:
.L_overlay_start_2:
0xc9: {  	(tag) =	ssettag $0x2  }
0xca: {  	s0 =	rddreg [dreg:$0x0];
	s2 =	stileid.u32  }
0xcb: {  	s1 =	rddreg [dreg:$0x1];
	p0 =	sne.s32 s2, $0x0  }
0xcc: {  	s3 =	rddreg [dreg:$0x2];
	[bflag:$0x3] =	sbarrier.arrive $0xFFFF;
	s2 =	simm.s32 @!p0 $0x1C0B  }
0xcd: {  	[timem:s3], [sflag:s2] =	dma.local @!p0 [hbm:s0], s1  }
0xce: {  	s0 =	simm.s32 @!p0 $0xB  }
0xcf: {  	_ =	swait.ge @!p0 [sflag:s0], s1  }
0xd0: {  	s1 =	ssub.s32 @!p0 $0x0, s1;
	[sflag:s0] =	ssyncset.done @!p0 $0x0  }
0xd1: {  	[sflag:s0] =	ssyncadd.s32 @!p0 s1  }
0xd2: {  	[bflag:$0x3] =	sbarrier.arrive $0xFFFF  }
0xd3: {  	_ =	shalt  }

</sc_bundles>
